<compile_context>
chip_gen: v7x
topology: tpu7x:2x2x1
jax: 0.10.2.dev20260603
libtpu: 0.0.44.dev20260713+nightly
codegen_flags: <defaults>
</compile_context>

<pallas_src>
import functools

import jax
import jax.numpy as jnp
from jax import lax
from jax.experimental import pallas as pl
from jax.experimental.pallas import tpu as pltpu
from jax.experimental.pallas import tpu_sc as plsc

B, S, D = 4096, 200, 64
L = 16
NC, NS = 2, 16
NW = NC * NS
SEQ_PER_W = B // NW
SEQ_PER_CHUNK = 4
CHUNK = SEQ_PER_CHUNK * S
NCHUNK = SEQ_PER_W // SEQ_PER_CHUNK
SPLITS = ((0, 120), (120, 80))

_mesh = plsc.VectorSubcoreMesh(
    core_axis_name="c", subcore_axis_name="s", num_cores=NC, num_subcores=NS
)


@functools.partial(
    pl.kernel,
    out_type=jax.ShapeDtypeStruct((B, S, D), jnp.float32),
    mesh=_mesh,
    scratch_types=[
        pltpu.VMEM((SEQ_PER_CHUNK, S), jnp.int32),
        pltpu.VMEM((SEQ_PER_CHUNK, S), jnp.int32),
        pltpu.VMEM((SEQ_PER_CHUNK, S, D), jnp.float32),
        pltpu.VMEM((SEQ_PER_CHUNK, S, D), jnp.float32),
        pltpu.VMEM((S, D), jnp.float32),
        pltpu.SemaphoreType.DMA,
        pltpu.SemaphoreType.DMA,
        pltpu.SemaphoreType.DMA,
        pltpu.SemaphoreType.DMA,
    ],
    compiler_params=pltpu.CompilerParams(use_tc_tiling_on_sc=False),
)
def _embed(x_hbm, tok_hbm, pos_hbm, out_hbm, idx0, idx1, rows0, rows1,
           pos_v, gs0, gs1, ws0, ws1):
    wid = lax.axis_index("s") * NC + lax.axis_index("c")
    pltpu.sync_copy(pos_hbm, pos_v)
    idxs = (idx0, idx1)
    rows = (rows0, rows1)
    gsems = (gs0, gs1)
    wsems = (ws0, ws1)

    def fire_gather(c, nb):
        seq0 = wid * SEQ_PER_W + c * SEQ_PER_CHUNK
        pltpu.sync_copy(x_hbm.at[pl.ds(seq0, SEQ_PER_CHUNK)], idxs[nb])
        for s0 in range(SEQ_PER_CHUNK):
            for off, n in SPLITS:
                pltpu.async_copy(
                    tok_hbm.at[idxs[nb].at[s0, pl.ds(off, n)]],
                    rows[nb].at[s0, pl.ds(off, n)],
                    gsems[nb],
                )

    def drain_gather(nb):
        for s0 in range(SEQ_PER_CHUNK):
            for off, n in SPLITS:
                pltpu.make_async_copy(
                    tok_hbm.at[pl.ds(0, n)],
                    rows[nb].at[s0, pl.ds(off, n)],
                    gsems[nb],
                ).wait()

    def drain_write(c, nb):
        seq0 = wid * SEQ_PER_W + c * SEQ_PER_CHUNK
        pltpu.make_async_copy(
            rows[nb], out_hbm.at[pl.ds(seq0, SEQ_PER_CHUNK)], wsems[nb]
        ).wait()

    def add_pos(nb):
        @plsc.parallel_loop(0, S)
        def pos_body(p):
            for j in range(D // L):
                pv = pos_v[p, pl.ds(j * L, L)]
                for s0 in range(SEQ_PER_CHUNK):
                    rows[nb][s0, p, pl.ds(j * L, L)] += pv

    def fire_write(c, nb):
        seq0 = wid * SEQ_PER_W + c * SEQ_PER_CHUNK
        pltpu.async_copy(
            rows[nb], out_hbm.at[pl.ds(seq0, SEQ_PER_CHUNK)], wsems[nb]
        )

    fire_gather(0, 0)

    def chunk_pair(cc, carry):
        for nb in range(2):
            c = cc * 2 + nb
            drain_gather(nb)

            @pl.when(c + 1 < NCHUNK)
            def _():
                @pl.when(c > 0)
                def _():
                    drain_write(c - 1, 1 - nb)

                fire_gather(c + 1, 1 - nb)

            add_pos(nb)
            fire_write(c, nb)
        return carry

    lax.fori_loop(0, NCHUNK // 2, chunk_pair, 0)
    drain_write(NCHUNK - 2, 0)
    drain_write(NCHUNK - 1, 1)


def kernel(x, token_table, pos_table):
    return _embed(x, token_table, pos_table[:S])

# --- scband reference (transcript-rebuilt; emitter-appended) ---
"""Pipeline reference for scband-input-embedding-10814727652021 (READ-ONLY COPY).

The authoritative reference and input builder live on the scoring server;
editing this copy changes nothing except your own understanding.
"""

import jax, jax.numpy as jnp
import numpy as np

VOCAB = 1000000
MAX_LEN = 2048
D_MODEL = 64
B = 4096
S = 200

def setup_inputs(seed: int = 0) -> dict:
    key = jax.random.key(seed)
    k1, k2, k3 = jax.random.split(key, 3)
    x = jax.random.randint(k1, (B, S), 0, VOCAB, dtype=jnp.int64 if jax.config.jax_enable_x64 else jnp.int32).astype(jnp.int32)
    token_table = jax.random.normal(k2, (VOCAB, D_MODEL), dtype=jnp.float32)
    pos_table = jax.random.normal(k3, (MAX_LEN, D_MODEL), dtype=jnp.float32)
    return {"x": x, "token_table": token_table, "pos_table": pos_table}

def reference(x, token_table, pos_table):
    # token embedding gather: [B, S, D]
    tok = jnp.take(token_table, x, axis=0)
    seq_len = x.shape[1]
    positions = jnp.arange(0, seq_len)
    pos = jnp.take(pos_table, positions, axis=0)  # [S, D]
    pos = jnp.broadcast_to(pos[None, :, :], tok.shape)
    # dropout with p=0.0 is identity (eval/inference semantics)
    return tok + pos

if __name__ == "__main__":
    import jax
    _d = setup_inputs()
    print(jax.jit(kernel)(*tuple(_d.values())))

</pallas_src>

<mosaic_0001>
#map = affine_map<(d0, d1) -> (0, 0)>
#map1 = affine_map<(d0, d1) -> (0, 0, 0)>
module attributes {stable_mosaic.version = 14 : i64} {
  func.func @_embed(%arg0: i32, %arg1: i32, %arg2: memref<4096x200xi32, #tpu.memory_space<hbm>>, %arg3: memref<1000000x64xf32, #tpu.memory_space<hbm>>, %arg4: memref<200x64xf32, #tpu.memory_space<hbm>>, %arg5: memref<4096x200x64xf32, #tpu.memory_space<hbm>>, %arg6: memref<4x200xi32, #tpu.memory_space<vmem>>, %arg7: memref<4x200xi32, #tpu.memory_space<vmem>>, %arg8: memref<4x200x64xf32, #tpu.memory_space<vmem>>, %arg9: memref<4x200x64xf32, #tpu.memory_space<vmem>>, %arg10: memref<200x64xf32, #tpu.memory_space<vmem>>, %arg11: memref<!tpu.dma_semaphore, #tpu.memory_space<semaphore_mem>>, %arg12: memref<!tpu.dma_semaphore, #tpu.memory_space<semaphore_mem>>, %arg13: memref<!tpu.dma_semaphore, #tpu.memory_space<semaphore_mem>>, %arg14: memref<!tpu.dma_semaphore, #tpu.memory_space<semaphore_mem>>) attributes {dimension_semantics = [#tpu.dimension_semantics<core_parallel>, #tpu.dimension_semantics<subcore_parallel>], iteration_bounds = array<i64: 2, 16>, scalar_prefetch = 0 : i64, scratch_operands = 9 : i64, tpu.core_type = #tpu.core_type<sc_vector_subcore>, window_params = [{transform_indices = #map}, {transform_indices = #map}, {transform_indices = #map}, {transform_indices = #map1}]} {
    %mul3A = arith.constant 2 : i32
    %mul3A_0 = arith.muli %arg1, %mul3A : i32
    %add3A = arith.addi %mul3A_0, %arg0 : i32
    "tpu.region"() ({
      %run_scoped3A = tpu.sem_alloc : memref<!tpu.dma_semaphore, #tpu.memory_space<semaphore_mem>>
      tpu.enqueue_dma source(%arg4 : memref<200x64xf32, #tpu.memory_space<hbm>>) target(%arg10 : memref<200x64xf32, #tpu.memory_space<vmem>>) target_semaphore(%run_scoped3A : memref<!tpu.dma_semaphore, #tpu.memory_space<semaphore_mem>>)
      tpu.wait_dma2 semaphore(%run_scoped3A : memref<!tpu.dma_semaphore, #tpu.memory_space<semaphore_mem>>) src(%arg4 : memref<200x64xf32, #tpu.memory_space<hbm>>) dst(%arg10 : memref<200x64xf32, #tpu.memory_space<vmem>>)
      tpu.yield
    }) : () -> ()
    %mul3A_1 = arith.constant 128 : i32
    %mul3A_2 = arith.muli %add3A, %mul3A_1 : i32
    %add3A_3 = arith.constant 0 : i32
    %add3A_4 = arith.addi %mul3A_2, %add3A_3 : i32
    "tpu.region"() ({
      %run_scoped3A = tpu.sem_alloc : memref<!tpu.dma_semaphore, #tpu.memory_space<semaphore_mem>>
      %dma_start3A_124 = arith.constant 0 : i32
      %dma_start3A_125 = tpu.memref_slice %arg2[%add3A_4, %dma_start3A_124] : memref<4096x200xi32, #tpu.memory_space<hbm>> -> memref<4x200xi32, #tpu.memory_space<hbm>>
      %dma_start3A_126 = arith.constant 0 : i32
      %dma_start3A_127 = tpu.memref_slice %arg2[%add3A_4, %dma_start3A_126] : memref<4096x200xi32, #tpu.memory_space<hbm>> -> memref<4x200xi32, #tpu.memory_space<hbm>>
      tpu.enqueue_dma source(%dma_start3A_127 : memref<4x200xi32, #tpu.memory_space<hbm>>) target(%arg6 : memref<4x200xi32, #tpu.memory_space<vmem>>) target_semaphore(%run_scoped3A : memref<!tpu.dma_semaphore, #tpu.memory_space<semaphore_mem>>)
      %dma_wait3A_128 = arith.constant 0 : i32
      %dma_wait3A_129 = tpu.memref_slice %arg2[%add3A_4, %dma_wait3A_128] : memref<4096x200xi32, #tpu.memory_space<hbm>> -> memref<4x200xi32, #tpu.memory_space<hbm>>
      %dma_wait3A_130 = arith.constant 0 : i32
      %dma_wait3A_131 = tpu.memref_slice %arg2[%add3A_4, %dma_wait3A_130] : memref<4096x200xi32, #tpu.memory_space<hbm>> -> memref<4x200xi32, #tpu.memory_space<hbm>>
      tpu.wait_dma2 semaphore(%run_scoped3A : memref<!tpu.dma_semaphore, #tpu.memory_space<semaphore_mem>>) src(%dma_wait3A_131 : memref<4x200xi32, #tpu.memory_space<hbm>>) dst(%arg6 : memref<4x200xi32, #tpu.memory_space<vmem>>)
      tpu.yield
    }) : () -> ()
    %dma_start3A = arith.constant 0 : i32
    %dma_start3A_5 = arith.constant 0 : i32
    %dma_start3A_6 = arith.constant 0 : i32
    %dma_start3A_7 = arith.constant 0 : i32
    %dma_start3A_8 = tpu.memref_slice %arg8[%dma_start3A_5, %dma_start3A_6, %dma_start3A_7] : memref<4x200x64xf32, #tpu.memory_space<vmem>> -> memref<1x120x64xf32, #tpu.memory_space<vmem>>
    %dma_start3A_9 = tpu.memref_squeeze %dma_start3A_8 : memref<1x120x64xf32, #tpu.memory_space<vmem>> -> memref<120x64xf32, #tpu.memory_space<vmem>>
    %dma_start3A_10 = arith.constant 0 : i32
    %dma_start3A_11 = tpu.memref_slice %arg6[%dma_start3A, %dma_start3A_10] : memref<4x200xi32, #tpu.memory_space<vmem>> -> memref<1x120xi32, #tpu.memory_space<vmem>>
    %dma_start3A_12 = tpu.memref_squeeze %dma_start3A_11 : memref<1x120xi32, #tpu.memory_space<vmem>> -> memref<120xi32, #tpu.memory_space<vmem>>
    %dma_start3A_13 = arith.constant 0 : i32
    %dma_start3A_14 = arith.constant 0 : i32
    %dma_start3A_15 = tpu.memref_slice %arg3[%dma_start3A_13, %dma_start3A_14] : memref<1000000x64xf32, #tpu.memory_space<hbm>> -> memref<1000000x64xf32, #tpu.memory_space<hbm>>
    tpu.enqueue_indirect_dma source(%dma_start3A_15 : memref<1000000x64xf32, #tpu.memory_space<hbm>>) target(%dma_start3A_9 : memref<120x64xf32, #tpu.memory_space<vmem>>) offsets(%dma_start3A_12 : memref<120xi32, #tpu.memory_space<vmem>>) semaphore(%arg11 : memref<!tpu.dma_semaphore, #tpu.memory_space<semaphore_mem>>)
    %dma_start3A_16 = arith.constant 0 : i32
    %dma_start3A_17 = arith.constant 0 : i32
    %dma_start3A_18 = arith.constant 120 : i32
    %dma_start3A_19 = arith.constant 0 : i32
    %dma_start3A_20 = tpu.memref_slice %arg8[%dma_start3A_17, %dma_start3A_18, %dma_start3A_19] : memref<4x200x64xf32, #tpu.memory_space<vmem>> -> memref<1x80x64xf32, #tpu.memory_space<vmem>>
    %dma_start3A_21 = tpu.memref_squeeze %dma_start3A_20 : memref<1x80x64xf32, #tpu.memory_space<vmem>> -> memref<80x64xf32, #tpu.memory_space<vmem>>
    %dma_start3A_22 = arith.constant 120 : i32
    %dma_start3A_23 = tpu.memref_slice %arg6[%dma_start3A_16, %dma_start3A_22] : memref<4x200xi32, #tpu.memory_space<vmem>> -> memref<1x80xi32, #tpu.memory_space<vmem>>
    %dma_start3A_24 = tpu.memref_squeeze %dma_start3A_23 : memref<1x80xi32, #tpu.memory_space<vmem>> -> memref<80xi32, #tpu.memory_space<vmem>>
    %dma_start3A_25 = arith.constant 0 : i32
    %dma_start3A_26 = arith.constant 0 : i32
    %dma_start3A_27 = tpu.memref_slice %arg3[%dma_start3A_25, %dma_start3A_26] : memref<1000000x64xf32, #tpu.memory_space<hbm>> -> memref<1000000x64xf32, #tpu.memory_space<hbm>>
    tpu.enqueue_indirect_dma source(%dma_start3A_27 : memref<1000000x64xf32, #tpu.memory_space<hbm>>) target(%dma_start3A_21 : memref<80x64xf32, #tpu.memory_space<vmem>>) offsets(%dma_start3A_24 : memref<80xi32, #tpu.memory_space<vmem>>) semaphore(%arg11 : memref<!tpu.dma_semaphore, #tpu.memory_space<semaphore_mem>>)
    %dma_start3A_28 = arith.constant 1 : i32
    %dma_start3A_29 = arith.constant 1 : i32
    %dma_start3A_30 = arith.constant 0 : i32
    %dma_start3A_31 = arith.constant 0 : i32
    %dma_start3A_32 = tpu.memref_slice %arg8[%dma_start3A_29, %dma_start3A_30, %dma_start3A_31] : memref<4x200x64xf32, #tpu.memory_space<vmem>> -> memref<1x120x64xf32, #tpu.memory_space<vmem>>
    %dma_start3A_33 = tpu.memref_squeeze %dma_start3A_32 : memref<1x120x64xf32, #tpu.memory_space<vmem>> -> memref<120x64xf32, #tpu.memory_space<vmem>>
    %dma_start3A_34 = arith.constant 0 : i32
    %dma_start3A_35 = tpu.memref_slice %arg6[%dma_start3A_28, %dma_start3A_34] : memref<4x200xi32, #tpu.memory_space<vmem>> -> memref<1x120xi32, #tpu.memory_space<vmem>>
    %dma_start3A_36 = tpu.memref_squeeze %dma_start3A_35 : memref<1x120xi32, #tpu.memory_space<vmem>> -> memref<120xi32, #tpu.memory_space<vmem>>
    %dma_start3A_37 = arith.constant 0 : i32
    %dma_start3A_38 = arith.constant 0 : i32
    %dma_start3A_39 = tpu.memref_slice %arg3[%dma_start3A_37, %dma_start3A_38] : memref<1000000x64xf32, #tpu.memory_space<hbm>> -> memref<1000000x64xf32, #tpu.memory_space<hbm>>
    tpu.enqueue_indirect_dma source(%dma_start3A_39 : memref<1000000x64xf32, #tpu.memory_space<hbm>>) target(%dma_start3A_33 : memref<120x64xf32, #tpu.memory_space<vmem>>) offsets(%dma_start3A_36 : memref<120xi32, #tpu.memory_space<vmem>>) semaphore(%arg11 : memref<!tpu.dma_semaphore, #tpu.memory_space<semaphore_mem>>)
    %dma_start3A_40 = arith.constant 1 : i32
    %dma_start3A_41 = arith.constant 1 : i32
    %dma_start3A_42 = arith.constant 120 : i32
    %dma_start3A_43 = arith.constant 0 : i32
    %dma_start3A_44 = tpu.memref_slice %arg8[%dma_start3A_41, %dma_start3A_42, %dma_start3A_43] : memref<4x200x64xf32, #tpu.memory_space<vmem>> -> memref<1x80x64xf32, #tpu.memory_space<vmem>>
    %dma_start3A_45 = tpu.memref_squeeze %dma_start3A_44 : memref<1x80x64xf32, #tpu.memory_space<vmem>> -> memref<80x64xf32, #tpu.memory_space<vmem>>
    %dma_start3A_46 = arith.constant 120 : i32
    %dma_start3A_47 = tpu.memref_slice %arg6[%dma_start3A_40, %dma_start3A_46] : memref<4x200xi32, #tpu.memory_space<vmem>> -> memref<1x80xi32, #tpu.memory_space<vmem>>
    %dma_start3A_48 = tpu.memref_squeeze %dma_start3A_47 : memref<1x80xi32, #tpu.memory_space<vmem>> -> memref<80xi32, #tpu.memory_space<vmem>>
    %dma_start3A_49 = arith.constant 0 : i32
    %dma_start3A_50 = arith.constant 0 : i32
    %dma_start3A_51 = tpu.memref_slice %arg3[%dma_start3A_49, %dma_start3A_50] : memref<1000000x64xf32, #tpu.memory_space<hbm>> -> memref<1000000x64xf32, #tpu.memory_space<hbm>>
    tpu.enqueue_indirect_dma source(%dma_start3A_51 : memref<1000000x64xf32, #tpu.memory_space<hbm>>) target(%dma_start3A_45 : memref<80x64xf32, #tpu.memory_space<vmem>>) offsets(%dma_start3A_48 : memref<80xi32, #tpu.memory_space<vmem>>) semaphore(%arg11 : memref<!tpu.dma_semaphore, #tpu.memory_space<semaphore_mem>>)
    %dma_start3A_52 = arith.constant 2 : i32
    %dma_start3A_53 = arith.constant 2 : i32
    %dma_start3A_54 = arith.constant 0 : i32
    %dma_start3A_55 = arith.constant 0 : i32
    %dma_start3A_56 = tpu.memref_slice %arg8[%dma_start3A_53, %dma_start3A_54, %dma_start3A_55] : memref<4x200x64xf32, #tpu.memory_space<vmem>> -> memref<1x120x64xf32, #tpu.memory_space<vmem>>
    %dma_start3A_57 = tpu.memref_squeeze %dma_start3A_56 : memref<1x120x64xf32, #tpu.memory_space<vmem>> -> memref<120x64xf32, #tpu.memory_space<vmem>>
    %dma_start3A_58 = arith.constant 0 : i32
    %dma_start3A_59 = tpu.memref_slice %arg6[%dma_start3A_52, %dma_start3A_58] : memref<4x200xi32, #tpu.memory_space<vmem>> -> memref<1x120xi32, #tpu.memory_space<vmem>>
    %dma_start3A_60 = tpu.memref_squeeze %dma_start3A_59 : memref<1x120xi32, #tpu.memory_space<vmem>> -> memref<120xi32, #tpu.memory_space<vmem>>
    %dma_start3A_61 = arith.constant 0 : i32
    %dma_start3A_62 = arith.constant 0 : i32
    %dma_start3A_63 = tpu.memref_slice %arg3[%dma_start3A_61, %dma_start3A_62] : memref<1000000x64xf32, #tpu.memory_space<hbm>> -> memref<1000000x64xf32, #tpu.memory_space<hbm>>
    tpu.enqueue_indirect_dma source(%dma_start3A_63 : memref<1000000x64xf32, #tpu.memory_space<hbm>>) target(%dma_start3A_57 : memref<120x64xf32, #tpu.memory_space<vmem>>) offsets(%dma_start3A_60 : memref<120xi32, #tpu.memory_space<vmem>>) semaphore(%arg11 : memref<!tpu.dma_semaphore, #tpu.memory_space<semaphore_mem>>)
    %dma_start3A_64 = arith.constant 2 : i32
    %dma_start3A_65 = arith.constant 2 : i32
    %dma_start3A_66 = arith.constant 120 : i32
    %dma_start3A_67 = arith.constant 0 : i32
    %dma_start3A_68 = tpu.memref_slice %arg8[%dma_start3A_65, %dma_start3A_66, %dma_start3A_67] : memref<4x200x64xf32, #tpu.memory_space<vmem>> -> memref<1x80x64xf32, #tpu.memory_space<vmem>>
    %dma_start3A_69 = tpu.memref_squeeze %dma_start3A_68 : memref<1x80x64xf32, #tpu.memory_space<vmem>> -> memref<80x64xf32, #tpu.memory_space<vmem>>
    %dma_start3A_70 = arith.constant 120 : i32
    %dma_start3A_71 = tpu.memref_slice %arg6[%dma_start3A_64, %dma_start3A_70] : memref<4x200xi32, #tpu.memory_space<vmem>> -> memref<1x80xi32, #tpu.memory_space<vmem>>
    %dma_start3A_72 = tpu.memref_squeeze %dma_start3A_71 : memref<1x80xi32, #tpu.memory_space<vmem>> -> memref<80xi32, #tpu.memory_space<vmem>>
    %dma_start3A_73 = arith.constant 0 : i32
    %dma_start3A_74 = arith.constant 0 : i32
    %dma_start3A_75 = tpu.memref_slice %arg3[%dma_start3A_73, %dma_start3A_74] : memref<1000000x64xf32, #tpu.memory_space<hbm>> -> memref<1000000x64xf32, #tpu.memory_space<hbm>>
    tpu.enqueue_indirect_dma source(%dma_start3A_75 : memref<1000000x64xf32, #tpu.memory_space<hbm>>) target(%dma_start3A_69 : memref<80x64xf32, #tpu.memory_space<vmem>>) offsets(%dma_start3A_72 : memref<80xi32, #tpu.memory_space<vmem>>) semaphore(%arg11 : memref<!tpu.dma_semaphore, #tpu.memory_space<semaphore_mem>>)
    %dma_start3A_76 = arith.constant 3 : i32
    %dma_start3A_77 = arith.constant 3 : i32
    %dma_start3A_78 = arith.constant 0 : i32
    %dma_start3A_79 = arith.constant 0 : i32
    %dma_start3A_80 = tpu.memref_slice %arg8[%dma_start3A_77, %dma_start3A_78, %dma_start3A_79] : memref<4x200x64xf32, #tpu.memory_space<vmem>> -> memref<1x120x64xf32, #tpu.memory_space<vmem>>
    %dma_start3A_81 = tpu.memref_squeeze %dma_start3A_80 : memref<1x120x64xf32, #tpu.memory_space<vmem>> -> memref<120x64xf32, #tpu.memory_space<vmem>>
    %dma_start3A_82 = arith.constant 0 : i32
    %dma_start3A_83 = tpu.memref_slice %arg6[%dma_start3A_76, %dma_start3A_82] : memref<4x200xi32, #tpu.memory_space<vmem>> -> memref<1x120xi32, #tpu.memory_space<vmem>>
    %dma_start3A_84 = tpu.memref_squeeze %dma_start3A_83 : memref<1x120xi32, #tpu.memory_space<vmem>> -> memref<120xi32, #tpu.memory_space<vmem>>
    %dma_start3A_85 = arith.constant 0 : i32
    %dma_start3A_86 = arith.constant 0 : i32
    %dma_start3A_87 = tpu.memref_slice %arg3[%dma_start3A_85, %dma_start3A_86] : memref<1000000x64xf32, #tpu.memory_space<hbm>> -> memref<1000000x64xf32, #tpu.memory_space<hbm>>
    tpu.enqueue_indirect_dma source(%dma_start3A_87 : memref<1000000x64xf32, #tpu.memory_space<hbm>>) target(%dma_start3A_81 : memref<120x64xf32, #tpu.memory_space<vmem>>) offsets(%dma_start3A_84 : memref<120xi32, #tpu.memory_space<vmem>>) semaphore(%arg11 : memref<!tpu.dma_semaphore, #tpu.memory_space<semaphore_mem>>)
    %dma_start3A_88 = arith.constant 3 : i32
    %dma_start3A_89 = arith.constant 3 : i32
    %dma_start3A_90 = arith.constant 120 : i32
    %dma_start3A_91 = arith.constant 0 : i32
    %dma_start3A_92 = tpu.memref_slice %arg8[%dma_start3A_89, %dma_start3A_90, %dma_start3A_91] : memref<4x200x64xf32, #tpu.memory_space<vmem>> -> memref<1x80x64xf32, #tpu.memory_space<vmem>>
    %dma_start3A_93 = tpu.memref_squeeze %dma_start3A_92 : memref<1x80x64xf32, #tpu.memory_space<vmem>> -> memref<80x64xf32, #tpu.memory_space<vmem>>
    %dma_start3A_94 = arith.constant 120 : i32
    %dma_start3A_95 = tpu.memref_slice %arg6[%dma_start3A_88, %dma_start3A_94] : memref<4x200xi32, #tpu.memory_space<vmem>> -> memref<1x80xi32, #tpu.memory_space<vmem>>
    %dma_start3A_96 = tpu.memref_squeeze %dma_start3A_95 : memref<1x80xi32, #tpu.memory_space<vmem>> -> memref<80xi32, #tpu.memory_space<vmem>>
    %dma_start3A_97 = arith.constant 0 : i32
    %dma_start3A_98 = arith.constant 0 : i32
    %dma_start3A_99 = tpu.memref_slice %arg3[%dma_start3A_97, %dma_start3A_98] : memref<1000000x64xf32, #tpu.memory_space<hbm>> -> memref<1000000x64xf32, #tpu.memory_space<hbm>>
    tpu.enqueue_indirect_dma source(%dma_start3A_99 : memref<1000000x64xf32, #tpu.memory_space<hbm>>) target(%dma_start3A_93 : memref<80x64xf32, #tpu.memory_space<vmem>>) offsets(%dma_start3A_96 : memref<80xi32, #tpu.memory_space<vmem>>) semaphore(%arg11 : memref<!tpu.dma_semaphore, #tpu.memory_space<semaphore_mem>>)
    %scan3A = arith.constant 0 : i32
    %scan3A_100 = arith.constant 0 : i32
    %scan3A_101 = arith.constant 16 : i32
    %scan3A_102 = arith.addi %scan3A_100, %scan3A_101 : i32
    %scan3A_103 = arith.constant 1 : i32
    scf.for %scan3A_124 = %scan3A_100 to %scan3A_102 step %scan3A_103  : i32 {
      %mul3A_125 = arith.constant 2 : i32
      %mul3A_126 = arith.muli %scan3A_124, %mul3A_125 : i32
      %add3A_127 = arith.constant 0 : i32
      %add3A_128 = arith.addi %mul3A_126, %add3A_127 : i32
      %dma_wait3A_129 = arith.constant 0 : i32
      %dma_wait3A_130 = arith.constant 0 : i32
      %dma_wait3A_131 = arith.constant 0 : i32
      %dma_wait3A_132 = tpu.memref_slice %arg8[%dma_wait3A_129, %dma_wait3A_130, %dma_wait3A_131] : memref<4x200x64xf32, #tpu.memory_space<vmem>> -> memref<1x120x64xf32, #tpu.memory_space<vmem>>
      %dma_wait3A_133 = tpu.memref_squeeze %dma_wait3A_132 : memref<1x120x64xf32, #tpu.memory_space<vmem>> -> memref<120x64xf32, #tpu.memory_space<vmem>>
      %dma_wait3A_134 = arith.constant 0 : i32
      %dma_wait3A_135 = arith.constant 0 : i32
      %dma_wait3A_136 = tpu.memref_slice %arg3[%dma_wait3A_134, %dma_wait3A_135] : memref<1000000x64xf32, #tpu.memory_space<hbm>> -> memref<120x64xf32, #tpu.memory_space<hbm>>
      %dma_wait3A_137 = arith.constant 0 : i32
      %dma_wait3A_138 = arith.constant 0 : i32
      %dma_wait3A_139 = tpu.memref_slice %arg8[%dma_wait3A_129, %dma_wait3A_137, %dma_wait3A_138] : memref<4x200x64xf32, #tpu.memory_space<vmem>> -> memref<1x120x64xf32, #tpu.memory_space<vmem>>
      %dma_wait3A_140 = tpu.memref_squeeze %dma_wait3A_139 : memref<1x120x64xf32, #tpu.memory_space<vmem>> -> memref<120x64xf32, #tpu.memory_space<vmem>>
      %dma_wait3A_141 = arith.constant 0 : i32
      %dma_wait3A_142 = arith.constant 0 : i32
      %dma_wait3A_143 = tpu.memref_slice %arg3[%dma_wait3A_141, %dma_wait3A_142] : memref<1000000x64xf32, #tpu.memory_space<hbm>> -> memref<120x64xf32, #tpu.memory_space<hbm>>
      tpu.wait_dma2 semaphore(%arg11 : memref<!tpu.dma_semaphore, #tpu.memory_space<semaphore_mem>>) src(%dma_wait3A_143 : memref<120x64xf32, #tpu.memory_space<hbm>>) dst(%dma_wait3A_140 : memref<120x64xf32, #tpu.memory_space<vmem>>)
      %dma_wait3A_144 = arith.constant 0 : i32
      %dma_wait3A_145 = arith.constant 120 : i32
      %dma_wait3A_146 = arith.constant 0 : i32
      %dma_wait3A_147 = tpu.memref_slice %arg8[%dma_wait3A_144, %dma_wait3A_145, %dma_wait3A_146] : memref<4x200x64xf32, #tpu.memory_space<vmem>> -> memref<1x80x64xf32, #tpu.memory_space<vmem>>
      %dma_wait3A_148 = tpu.memref_squeeze %dma_wait3A_147 : memref<1x80x64xf32, #tpu.memory_space<vmem>> -> memref<80x64xf32, #tpu.memory_space<vmem>>
      %dma_wait3A_149 = arith.constant 0 : i32
      %dma_wait3A_150 = arith.constant 0 : i32
      %dma_wait3A_151 = tpu.memref_slice %arg3[%dma_wait3A_149, %dma_wait3A_150] : memref<1000000x64xf32, #tpu.memory_space<hbm>> -> memref<80x64xf32, #tpu.memory_space<hbm>>
      %dma_wait3A_152 = arith.constant 120 : i32
      %dma_wait3A_153 = arith.constant 0 : i32
      %dma_wait3A_154 = tpu.memref_slice %arg8[%dma_wait3A_144, %dma_wait3A_152, %dma_wait3A_153] : memref<4x200x64xf32, #tpu.memory_space<vmem>> -> memref<1x80x64xf32, #tpu.memory_space<vmem>>
      %dma_wait3A_155 = tpu.memref_squeeze %dma_wait3A_154 : memref<1x80x64xf32, #tpu.memory_space<vmem>> -> memref<80x64xf32, #tpu.memory_space<vmem>>
      %dma_wait3A_156 = arith.constant 0 : i32
      %dma_wait3A_157 = arith.constant 0 : i32
      %dma_wait3A_158 = tpu.memref_slice %arg3[%dma_wait3A_156, %dma_wait3A_157] : memref<1000000x64xf32, #tpu.memory_space<hbm>> -> memref<80x64xf32, #tpu.memory_space<hbm>>
      tpu.wait_dma2 semaphore(%arg11 : memref<!tpu.dma_semaphore, #tpu.memory_space<semaphore_mem>>) src(%dma_wait3A_158 : memref<80x64xf32, #tpu.memory_space<hbm>>) dst(%dma_wait3A_155 : memref<80x64xf32, #tpu.memory_space<vmem>>)
      %dma_wait3A_159 = arith.constant 1 : i32
      %dma_wait3A_160 = arith.constant 0 : i32
      %dma_wait3A_161 = arith.constant 0 : i32
      %dma_wait3A_162 = tpu.memref_slice %arg8[%dma_wait3A_159, %dma_wait3A_160, %dma_wait3A_161] : memref<4x200x64xf32, #tpu.memory_space<vmem>> -> memref<1x120x64xf32, #tpu.memory_space<vmem>>
      %dma_wait3A_163 = tpu.memref_squeeze %dma_wait3A_162 : memref<1x120x64xf32, #tpu.memory_space<vmem>> -> memref<120x64xf32, #tpu.memory_space<vmem>>
      %dma_wait3A_164 = arith.constant 0 : i32
      %dma_wait3A_165 = arith.constant 0 : i32
      %dma_wait3A_166 = tpu.memref_slice %arg3[%dma_wait3A_164, %dma_wait3A_165] : memref<1000000x64xf32, #tpu.memory_space<hbm>> -> memref<120x64xf32, #tpu.memory_space<hbm>>
      %dma_wait3A_167 = arith.constant 0 : i32
      %dma_wait3A_168 = arith.constant 0 : i32
      %dma_wait3A_169 = tpu.memref_slice %arg8[%dma_wait3A_159, %dma_wait3A_167, %dma_wait3A_168] : memref<4x200x64xf32, #tpu.memory_space<vmem>> -> memref<1x120x64xf32, #tpu.memory_space<vmem>>
      %dma_wait3A_170 = tpu.memref_squeeze %dma_wait3A_169 : memref<1x120x64xf32, #tpu.memory_space<vmem>> -> memref<120x64xf32, #tpu.memory_space<vmem>>
      %dma_wait3A_171 = arith.constant 0 : i32
      %dma_wait3A_172 = arith.constant 0 : i32
      %dma_wait3A_173 = tpu.memref_slice %arg3[%dma_wait3A_171, %dma_wait3A_172] : memref<1000000x64xf32, #tpu.memory_space<hbm>> -> memref<120x64xf32, #tpu.memory_space<hbm>>
      tpu.wait_dma2 semaphore(%arg11 : memref<!tpu.dma_semaphore, #tpu.memory_space<semaphore_mem>>) src(%dma_wait3A_173 : memref<120x64xf32, #tpu.memory_space<hbm>>) dst(%dma_wait3A_170 : memref<120x64xf32, #tpu.memory_space<vmem>>)
      %dma_wait3A_174 = arith.constant 1 : i32
      %dma_wait3A_175 = arith.constant 120 : i32
      %dma_wait3A_176 = arith.constant 0 : i32
      %dma_wait3A_177 = tpu.memref_slice %arg8[%dma_wait3A_174, %dma_wait3A_175, %dma_wait3A_176] : memref<4x200x64xf32, #tpu.memory_space<vmem>> -> memref<1x80x64xf32, #tpu.memory_space<vmem>>
      %dma_wait3A_178 = tpu.memref_squeeze %dma_wait3A_177 : memref<1x80x64xf32, #tpu.memory_space<vmem>> -> memref<80x64xf32, #tpu.memory_space<vmem>>
      %dma_wait3A_179 = arith.constant 0 : i32
      %dma_wait3A_180 = arith.constant 0 : i32
      %dma_wait3A_181 = tpu.memref_slice %arg3[%dma_wait3A_179, %dma_wait3A_180] : memref<1000000x64xf32, #tpu.memory_space<hbm>> -> memref<80x64xf32, #tpu.memory_space<hbm>>
      %dma_wait3A_182 = arith.constant 120 : i32
      %dma_wait3A_183 = arith.constant 0 : i32
      %dma_wait3A_184 = tpu.memref_slice %arg8[%dma_wait3A_174, %dma_wait3A_182, %dma_wait3A_183] : memref<4x200x64xf32, #tpu.memory_space<vmem>> -> memref<1x80x64xf32, #tpu.memory_space<vmem>>
      %dma_wait3A_185 = tpu.memref_squeeze %dma_wait3A_184 : memref<1x80x64xf32, #tpu.memory_space<vmem>> -> memref<80x64xf32, #tpu.memory_space<vmem>>
      %dma_wait3A_186 = arith.constant 0 : i32
      %dma_wait3A_187 = arith.constant 0 : i32
      %dma_wait3A_188 = tpu.memref_slice %arg3[%dma_wait3A_186, %dma_wait3A_187] : memref<1000000x64xf32, #tpu.memory_space<hbm>> -> memref<80x64xf32, #tpu.memory_space<hbm>>
      tpu.wait_dma2 semaphore(%arg11 : memref<!tpu.dma_semaphore, #tpu.memory_space<semaphore_mem>>) src(%dma_wait3A_188 : memref<80x64xf32, #tpu.memory_space<hbm>>) dst(%dma_wait3A_185 : memref<80x64xf32, #tpu.memory_space<vmem>>)
      %dma_wait3A_189 = arith.constant 2 : i32
      %dma_wait3A_190 = arith.constant 0 : i32
      %dma_wait3A_191 = arith.constant 0 : i32
      %dma_wait3A_192 = tpu.memref_slice %arg8[%dma_wait3A_189, %dma_wait3A_190, %dma_wait3A_191] : memref<4x200x64xf32, #tpu.memory_space<vmem>> -> memref<1x120x64xf32, #tpu.memory_space<vmem>>
      %dma_wait3A_193 = tpu.memref_squeeze %dma_wait3A_192 : memref<1x120x64xf32, #tpu.memory_space<vmem>> -> memref<120x64xf32, #tpu.memory_space<vmem>>
      %dma_wait3A_194 = arith.constant 0 : i32
      %dma_wait3A_195 = arith.constant 0 : i32
      %dma_wait3A_196 = tpu.memref_slice %arg3[%dma_wait3A_194, %dma_wait3A_195] : memref<1000000x64xf32, #tpu.memory_space<hbm>> -> memref<120x64xf32, #tpu.memory_space<hbm>>
      %dma_wait3A_197 = arith.constant 0 : i32
      %dma_wait3A_198 = arith.constant 0 : i32
      %dma_wait3A_199 = tpu.memref_slice %arg8[%dma_wait3A_189, %dma_wait3A_197, %dma_wait3A_198] : memref<4x200x64xf32, #tpu.memory_space<vmem>> -> memref<1x120x64xf32, #tpu.memory_space<vmem>>
      %dma_wait3A_200 = tpu.memref_squeeze %dma_wait3A_199 : memref<1x120x64xf32, #tpu.memory_space<vmem>> -> memref<120x64xf32, #tpu.memory_space<vmem>>
      %dma_wait3A_201 = arith.constant 0 : i32
      %dma_wait3A_202 = arith.constant 0 : i32
      %dma_wait3A_203 = tpu.memref_slice %arg3[%dma_wait3A_201, %dma_wait3A_202] : memref<1000000x64xf32, #tpu.memory_space<hbm>> -> memref<120x64xf32, #tpu.memory_space<hbm>>
      tpu.wait_dma2 semaphore(%arg11 : memref<!tpu.dma_semaphore, #tpu.memory_space<semaphore_mem>>) src(%dma_wait3A_203 : memref<120x64xf32, #tpu.memory_space<hbm>>) dst(%dma_wait3A_200 : memref<120x64xf32, #tpu.memory_space<vmem>>)
      %dma_wait3A_204 = arith.constant 2 : i32
      %dma_wait3A_205 = arith.constant 120 : i32
      %dma_wait3A_206 = arith.constant 0 : i32
      %dma_wait3A_207 = tpu.memref_slice %arg8[%dma_wait3A_204, %dma_wait3A_205, %dma_wait3A_206] : memref<4x200x64xf32, #tpu.memory_space<vmem>> -> memref<1x80x64xf32, #tpu.memory_space<vmem>>
      %dma_wait3A_208 = tpu.memref_squeeze %dma_wait3A_207 : memref<1x80x64xf32, #tpu.memory_space<vmem>> -> memref<80x64xf32, #tpu.memory_space<vmem>>
      %dma_wait3A_209 = arith.constant 0 : i32
      %dma_wait3A_210 = arith.constant 0 : i32
      %dma_wait3A_211 = tpu.memref_slice %arg3[%dma_wait3A_209, %dma_wait3A_210] : memref<1000000x64xf32, #tpu.memory_space<hbm>> -> memref<80x64xf32, #tpu.memory_space<hbm>>
      %dma_wait3A_212 = arith.constant 120 : i32
      %dma_wait3A_213 = arith.constant 0 : i32
      %dma_wait3A_214 = tpu.memref_slice %arg8[%dma_wait3A_204, %dma_wait3A_212, %dma_wait3A_213] : memref<4x200x64xf32, #tpu.memory_space<vmem>> -> memref<1x80x64xf32, #tpu.memory_space<vmem>>
      %dma_wait3A_215 = tpu.memref_squeeze %dma_wait3A_214 : memref<1x80x64xf32, #tpu.memory_space<vmem>> -> memref<80x64xf32, #tpu.memory_space<vmem>>
      %dma_wait3A_216 = arith.constant 0 : i32
      %dma_wait3A_217 = arith.constant 0 : i32
      %dma_wait3A_218 = tpu.memref_slice %arg3[%dma_wait3A_216, %dma_wait3A_217] : memref<1000000x64xf32, #tpu.memory_space<hbm>> -> memref<80x64xf32, #tpu.memory_space<hbm>>
      tpu.wait_dma2 semaphore(%arg11 : memref<!tpu.dma_semaphore, #tpu.memory_space<semaphore_mem>>) src(%dma_wait3A_218 : memref<80x64xf32, #tpu.memory_space<hbm>>) dst(%dma_wait3A_215 : memref<80x64xf32, #tpu.memory_space<vmem>>)
      %dma_wait3A_219 = arith.constant 3 : i32
      %dma_wait3A_220 = arith.constant 0 : i32
      %dma_wait3A_221 = arith.constant 0 : i32
      %dma_wait3A_222 = tpu.memref_slice %arg8[%dma_wait3A_219, %dma_wait3A_220, %dma_wait3A_221] : memref<4x200x64xf32, #tpu.memory_space<vmem>> -> memref<1x120x64xf32, #tpu.memory_space<vmem>>
      %dma_wait3A_223 = tpu.memref_squeeze %dma_wait3A_222 : memref<1x120x64xf32, #tpu.memory_space<vmem>> -> memref<120x64xf32, #tpu.memory_space<vmem>>
      %dma_wait3A_224 = arith.constant 0 : i32
      %dma_wait3A_225 = arith.constant 0 : i32
      %dma_wait3A_226 = tpu.memref_slice %arg3[%dma_wait3A_224, %dma_wait3A_225] : memref<1000000x64xf32, #tpu.memory_space<hbm>> -> memref<120x64xf32, #tpu.memory_space<hbm>>
      %dma_wait3A_227 = arith.constant 0 : i32
      %dma_wait3A_228 = arith.constant 0 : i32
      %dma_wait3A_229 = tpu.memref_slice %arg8[%dma_wait3A_219, %dma_wait3A_227, %dma_wait3A_228] : memref<4x200x64xf32, #tpu.memory_space<vmem>> -> memref<1x120x64xf32, #tpu.memory_space<vmem>>
      %dma_wait3A_230 = tpu.memref_squeeze %dma_wait3A_229 : memref<1x120x64xf32, #tpu.memory_space<vmem>> -> memref<120x64xf32, #tpu.memory_space<vmem>>
      %dma_wait3A_231 = arith.constant 0 : i32
      %dma_wait3A_232 = arith.constant 0 : i32
      %dma_wait3A_233 = tpu.memref_slice %arg3[%dma_wait3A_231, %dma_wait3A_232] : memref<1000000x64xf32, #tpu.memory_space<hbm>> -> memref<120x64xf32, #tpu.memory_space<hbm>>
      tpu.wait_dma2 semaphore(%arg11 : memref<!tpu.dma_semaphore, #tpu.memory_space<semaphore_mem>>) src(%dma_wait3A_233 : memref<120x64xf32, #tpu.memory_space<hbm>>) dst(%dma_wait3A_230 : memref<120x64xf32, #tpu.memory_space<vmem>>)
      %dma_wait3A_234 = arith.constant 3 : i32
      %dma_wait3A_235 = arith.constant 120 : i32
      %dma_wait3A_236 = arith.constant 0 : i32
      %dma_wait3A_237 = tpu.memref_slice %arg8[%dma_wait3A_234, %dma_wait3A_235, %dma_wait3A_236] : memref<4x200x64xf32, #tpu.memory_space<vmem>> -> memref<1x80x64xf32, #tpu.memory_space<vmem>>
      %dma_wait3A_238 = tpu.memref_squeeze %dma_wait3A_237 : memref<1x80x64xf32, #tpu.memory_space<vmem>> -> memref<80x64xf32, #tpu.memory_space<vmem>>
      %dma_wait3A_239 = arith.constant 0 : i32
      %dma_wait3A_240 = arith.constant 0 : i32
      %dma_wait3A_241 = tpu.memref_slice %arg3[%dma_wait3A_239, %dma_wait3A_240] : memref<1000000x64xf32, #tpu.memory_space<hbm>> -> memref<80x64xf32, #tpu.memory_space<hbm>>
      %dma_wait3A_242 = arith.constant 120 : i32
      %dma_wait3A_243 = arith.constant 0 : i32
      %dma_wait3A_244 = tpu.memref_slice %arg8[%dma_wait3A_234, %dma_wait3A_242, %dma_wait3A_243] : memref<4x200x64xf32, #tpu.memory_space<vmem>> -> memref<1x80x64xf32, #tpu.memory_space<vmem>>
      %dma_wait3A_245 = tpu.memref_squeeze %dma_wait3A_244 : memref<1x80x64xf32, #tpu.memory_space<vmem>> -> memref<80x64xf32, #tpu.memory_space<vmem>>
      %dma_wait3A_246 = arith.constant 0 : i32
      %dma_wait3A_247 = arith.constant 0 : i32
      %dma_wait3A_248 = tpu.memref_slice %arg3[%dma_wait3A_246, %dma_wait3A_247] : memref<1000000x64xf32, #tpu.memory_space<hbm>> -> memref<80x64xf32, #tpu.memory_space<hbm>>
      tpu.wait_dma2 semaphore(%arg11 : memref<!tpu.dma_semaphore, #tpu.memory_space<semaphore_mem>>) src(%dma_wait3A_248 : memref<80x64xf32, #tpu.memory_space<hbm>>) dst(%dma_wait3A_245 : memref<80x64xf32, #tpu.memory_space<vmem>>)
      %add3A_249 = arith.constant 1 : i32
      %add3A_250 = arith.addi %add3A_128, %add3A_249 : i32
      %lt3A = arith.constant 32 : i32
      %lt3A_251 = arith.cmpi slt, %add3A_250, %lt3A : i32
      %convert_element_type3A = arith.extui %lt3A_251 : i1 to i32
      %cond3A = arith.constant 0 : i32
      %cond3A_252 = arith.cmpi ne, %convert_element_type3A, %cond3A : i32
      scf.if %cond3A_252 {
        %gt3A = arith.constant 0 : i32
        %gt3A_411 = arith.cmpi sgt, %add3A_128, %gt3A : i32
        %convert_element_type3A_412 = arith.extui %gt3A_411 : i1 to i32
        %cond3A_413 = arith.constant 0 : i32
        %cond3A_414 = arith.cmpi ne, %convert_element_type3A_412, %cond3A_413 : i32
        scf.if %cond3A_414 {
          %sub3A = arith.constant 1 : i32
          %sub3A_518 = arith.subi %add3A_128, %sub3A : i32
          %mul3A_519 = arith.constant 128 : i32
          %mul3A_520 = arith.muli %add3A, %mul3A_519 : i32
          %mul3A_521 = arith.constant 4 : i32
          %mul3A_522 = arith.muli %sub3A_518, %mul3A_521 : i32
          %add3A_523 = arith.addi %mul3A_520, %mul3A_522 : i32
          %dma_wait3A_524 = arith.constant 0 : i32
          %dma_wait3A_525 = arith.constant 0 : i32
          %dma_wait3A_526 = tpu.memref_slice %arg5[%add3A_523, %dma_wait3A_524, %dma_wait3A_525] : memref<4096x200x64xf32, #tpu.memory_space<hbm>> -> memref<4x200x64xf32, #tpu.memory_space<hbm>>
          %dma_wait3A_527 = arith.constant 0 : i32
          %dma_wait3A_528 = arith.constant 0 : i32
          %dma_wait3A_529 = tpu.memref_slice %arg5[%add3A_523, %dma_wait3A_527, %dma_wait3A_528] : memref<4096x200x64xf32, #tpu.memory_space<hbm>> -> memref<4x200x64xf32, #tpu.memory_space<hbm>>
          tpu.wait_dma2 semaphore(%arg14 : memref<!tpu.dma_semaphore, #tpu.memory_space<semaphore_mem>>) src(%arg9 : memref<4x200x64xf32, #tpu.memory_space<vmem>>) dst(%dma_wait3A_529 : memref<4x200x64xf32, #tpu.memory_space<hbm>>)
        } else {
        }
        %add3A_415 = arith.constant 1 : i32
        %add3A_416 = arith.addi %add3A_128, %add3A_415 : i32
        %mul3A_417 = arith.constant 128 : i32
        %mul3A_418 = arith.muli %add3A, %mul3A_417 : i32
        %mul3A_419 = arith.constant 4 : i32
        %mul3A_420 = arith.muli %add3A_416, %mul3A_419 : i32
        %add3A_421 = arith.addi %mul3A_418, %mul3A_420 : i32
        "tpu.region"() ({
          %run_scoped3A = tpu.sem_alloc : memref<!tpu.dma_semaphore, #tpu.memory_space<semaphore_mem>>
          %dma_start3A_518 = arith.constant 0 : i32
          %dma_start3A_519 = tpu.memref_slice %arg2[%add3A_421, %dma_start3A_518] : memref<4096x200xi32, #tpu.memory_space<hbm>> -> memref<4x200xi32, #tpu.memory_space<hbm>>
          %dma_start3A_520 = arith.constant 0 : i32
          %dma_start3A_521 = tpu.memref_slice %arg2[%add3A_421, %dma_start3A_520] : memref<4096x200xi32, #tpu.memory_space<hbm>> -> memref<4x200xi32, #tpu.memory_space<hbm>>
          tpu.enqueue_dma source(%dma_start3A_521 : memref<4x200xi32, #tpu.memory_space<hbm>>) target(%arg7 : memref<4x200xi32, #tpu.memory_space<vmem>>) target_semaphore(%run_scoped3A : memref<!tpu.dma_semaphore, #tpu.memory_space<semaphore_mem>>)
          %dma_wait3A_522 = arith.constant 0 : i32
          %dma_wait3A_523 = tpu.memref_slice %arg2[%add3A_421, %dma_wait3A_522] : memref<4096x200xi32, #tpu.memory_space<hbm>> -> memref<4x200xi32, #tpu.memory_space<hbm>>
          %dma_wait3A_524 = arith.constant 0 : i32
          %dma_wait3A_525 = tpu.memref_slice %arg2[%add3A_421, %dma_wait3A_524] : memref<4096x200xi32, #tpu.memory_space<hbm>> -> memref<4x200xi32, #tpu.memory_space<hbm>>
          tpu.wait_dma2 semaphore(%run_scoped3A : memref<!tpu.dma_semaphore, #tpu.memory_space<semaphore_mem>>) src(%dma_wait3A_525 : memref<4x200xi32, #tpu.memory_space<hbm>>) dst(%arg7 : memref<4x200xi32, #tpu.memory_space<vmem>>)
          tpu.yield
        }) : () -> ()
        %dma_start3A_422 = arith.constant 0 : i32
        %dma_start3A_423 = arith.constant 0 : i32
        %dma_start3A_424 = arith.constant 0 : i32
        %dma_start3A_425 = arith.constant 0 : i32
        %dma_start3A_426 = tpu.memref_slice %arg9[%dma_start3A_423, %dma_start3A_424, %dma_start3A_425] : memref<4x200x64xf32, #tpu.memory_space<vmem>> -> memref<1x120x64xf32, #tpu.memory_space<vmem>>
        %dma_start3A_427 = tpu.memref_squeeze %dma_start3A_426 : memref<1x120x64xf32, #tpu.memory_space<vmem>> -> memref<120x64xf32, #tpu.memory_space<vmem>>
        %dma_start3A_428 = arith.constant 0 : i32
        %dma_start3A_429 = tpu.memref_slice %arg7[%dma_start3A_422, %dma_start3A_428] : memref<4x200xi32, #tpu.memory_space<vmem>> -> memref<1x120xi32, #tpu.memory_space<vmem>>
        %dma_start3A_430 = tpu.memref_squeeze %dma_start3A_429 : memref<1x120xi32, #tpu.memory_space<vmem>> -> memref<120xi32, #tpu.memory_space<vmem>>
        %dma_start3A_431 = arith.constant 0 : i32
        %dma_start3A_432 = arith.constant 0 : i32
        %dma_start3A_433 = tpu.memref_slice %arg3[%dma_start3A_431, %dma_start3A_432] : memref<1000000x64xf32, #tpu.memory_space<hbm>> -> memref<1000000x64xf32, #tpu.memory_space<hbm>>
        tpu.enqueue_indirect_dma source(%dma_start3A_433 : memref<1000000x64xf32, #tpu.memory_space<hbm>>) target(%dma_start3A_427 : memref<120x64xf32, #tpu.memory_space<vmem>>) offsets(%dma_start3A_430 : memref<120xi32, #tpu.memory_space<vmem>>) semaphore(%arg12 : memref<!tpu.dma_semaphore, #tpu.memory_space<semaphore_mem>>)
        %dma_start3A_434 = arith.constant 0 : i32
        %dma_start3A_435 = arith.constant 0 : i32
        %dma_start3A_436 = arith.constant 120 : i32
        %dma_start3A_437 = arith.constant 0 : i32
        %dma_start3A_438 = tpu.memref_slice %arg9[%dma_start3A_435, %dma_start3A_436, %dma_start3A_437] : memref<4x200x64xf32, #tpu.memory_space<vmem>> -> memref<1x80x64xf32, #tpu.memory_space<vmem>>
        %dma_start3A_439 = tpu.memref_squeeze %dma_start3A_438 : memref<1x80x64xf32, #tpu.memory_space<vmem>> -> memref<80x64xf32, #tpu.memory_space<vmem>>
        %dma_start3A_440 = arith.constant 120 : i32
        %dma_start3A_441 = tpu.memref_slice %arg7[%dma_start3A_434, %dma_start3A_440] : memref<4x200xi32, #tpu.memory_space<vmem>> -> memref<1x80xi32, #tpu.memory_space<vmem>>
        %dma_start3A_442 = tpu.memref_squeeze %dma_start3A_441 : memref<1x80xi32, #tpu.memory_space<vmem>> -> memref<80xi32, #tpu.memory_space<vmem>>
        %dma_start3A_443 = arith.constant 0 : i32
        %dma_start3A_444 = arith.constant 0 : i32
        %dma_start3A_445 = tpu.memref_slice %arg3[%dma_start3A_443, %dma_start3A_444] : memref<1000000x64xf32, #tpu.memory_space<hbm>> -> memref<1000000x64xf32, #tpu.memory_space<hbm>>
        tpu.enqueue_indirect_dma source(%dma_start3A_445 : memref<1000000x64xf32, #tpu.memory_space<hbm>>) target(%dma_start3A_439 : memref<80x64xf32, #tpu.memory_space<vmem>>) offsets(%dma_start3A_442 : memref<80xi32, #tpu.memory_space<vmem>>) semaphore(%arg12 : memref<!tpu.dma_semaphore, #tpu.memory_space<semaphore_mem>>)
        %dma_start3A_446 = arith.constant 1 : i32
        %dma_start3A_447 = arith.constant 1 : i32
        %dma_start3A_448 = arith.constant 0 : i32
        %dma_start3A_449 = arith.constant 0 : i32
        %dma_start3A_450 = tpu.memref_slice %arg9[%dma_start3A_447, %dma_start3A_448, %dma_start3A_449] : memref<4x200x64xf32, #tpu.memory_space<vmem>> -> memref<1x120x64xf32, #tpu.memory_space<vmem>>
        %dma_start3A_451 = tpu.memref_squeeze %dma_start3A_450 : memref<1x120x64xf32, #tpu.memory_space<vmem>> -> memref<120x64xf32, #tpu.memory_space<vmem>>
        %dma_start3A_452 = arith.constant 0 : i32
        %dma_start3A_453 = tpu.memref_slice %arg7[%dma_start3A_446, %dma_start3A_452] : memref<4x200xi32, #tpu.memory_space<vmem>> -> memref<1x120xi32, #tpu.memory_space<vmem>>
        %dma_start3A_454 = tpu.memref_squeeze %dma_start3A_453 : memref<1x120xi32, #tpu.memory_space<vmem>> -> memref<120xi32, #tpu.memory_space<vmem>>
        %dma_start3A_455 = arith.constant 0 : i32
        %dma_start3A_456 = arith.constant 0 : i32
        %dma_start3A_457 = tpu.memref_slice %arg3[%dma_start3A_455, %dma_start3A_456] : memref<1000000x64xf32, #tpu.memory_space<hbm>> -> memref<1000000x64xf32, #tpu.memory_space<hbm>>
        tpu.enqueue_indirect_dma source(%dma_start3A_457 : memref<1000000x64xf32, #tpu.memory_space<hbm>>) target(%dma_start3A_451 : memref<120x64xf32, #tpu.memory_space<vmem>>) offsets(%dma_start3A_454 : memref<120xi32, #tpu.memory_space<vmem>>) semaphore(%arg12 : memref<!tpu.dma_semaphore, #tpu.memory_space<semaphore_mem>>)
        %dma_start3A_458 = arith.constant 1 : i32
        %dma_start3A_459 = arith.constant 1 : i32
        %dma_start3A_460 = arith.constant 120 : i32
        %dma_start3A_461 = arith.constant 0 : i32
        %dma_start3A_462 = tpu.memref_slice %arg9[%dma_start3A_459, %dma_start3A_460, %dma_start3A_461] : memref<4x200x64xf32, #tpu.memory_space<vmem>> -> memref<1x80x64xf32, #tpu.memory_space<vmem>>
        %dma_start3A_463 = tpu.memref_squeeze %dma_start3A_462 : memref<1x80x64xf32, #tpu.memory_space<vmem>> -> memref<80x64xf32, #tpu.memory_space<vmem>>
        %dma_start3A_464 = arith.constant 120 : i32
        %dma_start3A_465 = tpu.memref_slice %arg7[%dma_start3A_458, %dma_start3A_464] : memref<4x200xi32, #tpu.memory_space<vmem>> -> memref<1x80xi32, #tpu.memory_space<vmem>>
        %dma_start3A_466 = tpu.memref_squeeze %dma_start3A_465 : memref<1x80xi32, #tpu.memory_space<vmem>> -> memref<80xi32, #tpu.memory_space<vmem>>
        %dma_start3A_467 = arith.constant 0 : i32
        %dma_start3A_468 = arith.constant 0 : i32
        %dma_start3A_469 = tpu.memref_slice %arg3[%dma_start3A_467, %dma_start3A_468] : memref<1000000x64xf32, #tpu.memory_space<hbm>> -> memref<1000000x64xf32, #tpu.memory_space<hbm>>
        tpu.enqueue_indirect_dma source(%dma_start3A_469 : memref<1000000x64xf32, #tpu.memory_space<hbm>>) target(%dma_start3A_463 : memref<80x64xf32, #tpu.memory_space<vmem>>) offsets(%dma_start3A_466 : memref<80xi32, #tpu.memory_space<vmem>>) semaphore(%arg12 : memref<!tpu.dma_semaphore, #tpu.memory_space<semaphore_mem>>)
        %dma_start3A_470 = arith.constant 2 : i32
        %dma_start3A_471 = arith.constant 2 : i32
        %dma_start3A_472 = arith.constant 0 : i32
        %dma_start3A_473 = arith.constant 0 : i32
        %dma_start3A_474 = tpu.memref_slice %arg9[%dma_start3A_471, %dma_start3A_472, %dma_start3A_473] : memref<4x200x64xf32, #tpu.memory_space<vmem>> -> memref<1x120x64xf32, #tpu.memory_space<vmem>>
        %dma_start3A_475 = tpu.memref_squeeze %dma_start3A_474 : memref<1x120x64xf32, #tpu.memory_space<vmem>> -> memref<120x64xf32, #tpu.memory_space<vmem>>
        %dma_start3A_476 = arith.constant 0 : i32
        %dma_start3A_477 = tpu.memref_slice %arg7[%dma_start3A_470, %dma_start3A_476] : memref<4x200xi32, #tpu.memory_space<vmem>> -> memref<1x120xi32, #tpu.memory_space<vmem>>
        %dma_start3A_478 = tpu.memref_squeeze %dma_start3A_477 : memref<1x120xi32, #tpu.memory_space<vmem>> -> memref<120xi32, #tpu.memory_space<vmem>>
        %dma_start3A_479 = arith.constant 0 : i32
        %dma_start3A_480 = arith.constant 0 : i32
        %dma_start3A_481 = tpu.memref_slice %arg3[%dma_start3A_479, %dma_start3A_480] : memref<1000000x64xf32, #tpu.memory_space<hbm>> -> memref<1000000x64xf32, #tpu.memory_space<hbm>>
        tpu.enqueue_indirect_dma source(%dma_start3A_481 : memref<1000000x64xf32, #tpu.memory_space<hbm>>) target(%dma_start3A_475 : memref<120x64xf32, #tpu.memory_space<vmem>>) offsets(%dma_start3A_478 : memref<120xi32, #tpu.memory_space<vmem>>) semaphore(%arg12 : memref<!tpu.dma_semaphore, #tpu.memory_space<semaphore_mem>>)
        %dma_start3A_482 = arith.constant 2 : i32
        %dma_start3A_483 = arith.constant 2 : i32
        %dma_start3A_484 = arith.constant 120 : i32
        %dma_start3A_485 = arith.constant 0 : i32
        %dma_start3A_486 = tpu.memref_slice %arg9[%dma_start3A_483, %dma_start3A_484, %dma_start3A_485] : memref<4x200x64xf32, #tpu.memory_space<vmem>> -> memref<1x80x64xf32, #tpu.memory_space<vmem>>
        %dma_start3A_487 = tpu.memref_squeeze %dma_start3A_486 : memref<1x80x64xf32, #tpu.memory_space<vmem>> -> memref<80x64xf32, #tpu.memory_space<vmem>>
        %dma_start3A_488 = arith.constant 120 : i32
        %dma_start3A_489 = tpu.memref_slice %arg7[%dma_start3A_482, %dma_start3A_488] : memref<4x200xi32, #tpu.memory_space<vmem>> -> memref<1x80xi32, #tpu.memory_space<vmem>>
        %dma_start3A_490 = tpu.memref_squeeze %dma_start3A_489 : memref<1x80xi32, #tpu.memory_space<vmem>> -> memref<80xi32, #tpu.memory_space<vmem>>
        %dma_start3A_491 = arith.constant 0 : i32
        %dma_start3A_492 = arith.constant 0 : i32
        %dma_start3A_493 = tpu.memref_slice %arg3[%dma_start3A_491, %dma_start3A_492] : memref<1000000x64xf32, #tpu.memory_space<hbm>> -> memref<1000000x64xf32, #tpu.memory_space<hbm>>
        tpu.enqueue_indirect_dma source(%dma_start3A_493 : memref<1000000x64xf32, #tpu.memory_space<hbm>>) target(%dma_start3A_487 : memref<80x64xf32, #tpu.memory_space<vmem>>) offsets(%dma_start3A_490 : memref<80xi32, #tpu.memory_space<vmem>>) semaphore(%arg12 : memref<!tpu.dma_semaphore, #tpu.memory_space<semaphore_mem>>)
        %dma_start3A_494 = arith.constant 3 : i32
        %dma_start3A_495 = arith.constant 3 : i32
        %dma_start3A_496 = arith.constant 0 : i32
        %dma_start3A_497 = arith.constant 0 : i32
        %dma_start3A_498 = tpu.memref_slice %arg9[%dma_start3A_495, %dma_start3A_496, %dma_start3A_497] : memref<4x200x64xf32, #tpu.memory_space<vmem>> -> memref<1x120x64xf32, #tpu.memory_space<vmem>>
        %dma_start3A_499 = tpu.memref_squeeze %dma_start3A_498 : memref<1x120x64xf32, #tpu.memory_space<vmem>> -> memref<120x64xf32, #tpu.memory_space<vmem>>
        %dma_start3A_500 = arith.constant 0 : i32
        %dma_start3A_501 = tpu.memref_slice %arg7[%dma_start3A_494, %dma_start3A_500] : memref<4x200xi32, #tpu.memory_space<vmem>> -> memref<1x120xi32, #tpu.memory_space<vmem>>
        %dma_start3A_502 = tpu.memref_squeeze %dma_start3A_501 : memref<1x120xi32, #tpu.memory_space<vmem>> -> memref<120xi32, #tpu.memory_space<vmem>>
        %dma_start3A_503 = arith.constant 0 : i32
        %dma_start3A_504 = arith.constant 0 : i32
        %dma_start3A_505 = tpu.memref_slice %arg3[%dma_start3A_503, %dma_start3A_504] : memref<1000000x64xf32, #tpu.memory_space<hbm>> -> memref<1000000x64xf32, #tpu.memory_space<hbm>>
        tpu.enqueue_indirect_dma source(%dma_start3A_505 : memref<1000000x64xf32, #tpu.memory_space<hbm>>) target(%dma_start3A_499 : memref<120x64xf32, #tpu.memory_space<vmem>>) offsets(%dma_start3A_502 : memref<120xi32, #tpu.memory_space<vmem>>) semaphore(%arg12 : memref<!tpu.dma_semaphore, #tpu.memory_space<semaphore_mem>>)
        %dma_start3A_506 = arith.constant 3 : i32
        %dma_start3A_507 = arith.constant 3 : i32
        %dma_start3A_508 = arith.constant 120 : i32
        %dma_start3A_509 = arith.constant 0 : i32
        %dma_start3A_510 = tpu.memref_slice %arg9[%dma_start3A_507, %dma_start3A_508, %dma_start3A_509] : memref<4x200x64xf32, #tpu.memory_space<vmem>> -> memref<1x80x64xf32, #tpu.memory_space<vmem>>
        %dma_start3A_511 = tpu.memref_squeeze %dma_start3A_510 : memref<1x80x64xf32, #tpu.memory_space<vmem>> -> memref<80x64xf32, #tpu.memory_space<vmem>>
        %dma_start3A_512 = arith.constant 120 : i32
        %dma_start3A_513 = tpu.memref_slice %arg7[%dma_start3A_506, %dma_start3A_512] : memref<4x200xi32, #tpu.memory_space<vmem>> -> memref<1x80xi32, #tpu.memory_space<vmem>>
        %dma_start3A_514 = tpu.memref_squeeze %dma_start3A_513 : memref<1x80xi32, #tpu.memory_space<vmem>> -> memref<80xi32, #tpu.memory_space<vmem>>
        %dma_start3A_515 = arith.constant 0 : i32
        %dma_start3A_516 = arith.constant 0 : i32
        %dma_start3A_517 = tpu.memref_slice %arg3[%dma_start3A_515, %dma_start3A_516] : memref<1000000x64xf32, #tpu.memory_space<hbm>> -> memref<1000000x64xf32, #tpu.memory_space<hbm>>
        tpu.enqueue_indirect_dma source(%dma_start3A_517 : memref<1000000x64xf32, #tpu.memory_space<hbm>>) target(%dma_start3A_511 : memref<80x64xf32, #tpu.memory_space<vmem>>) offsets(%dma_start3A_514 : memref<80xi32, #tpu.memory_space<vmem>>) semaphore(%arg12 : memref<!tpu.dma_semaphore, #tpu.memory_space<semaphore_mem>>)
      } else {
      }
      %parallel_loop3A = arith.constant 0 : i32
      %parallel_loop3A_253 = arith.constant 200 : i32
      %parallel_loop3A_254 = arith.constant 1 : i32
      scf.for %parallel_loop3A_411 = %parallel_loop3A to %parallel_loop3A_253 step %parallel_loop3A_254  : i32 {
        %parallel_loop3A_412 = arith.index_cast %parallel_loop3A_411 : i32 to index
        %parallel_loop3A_413 = arith.constant 0 : index
        %parallel_loop3A_414 = tpu.vector_load %arg10[%parallel_loop3A_412, %parallel_loop3A_413] {strides = array<i32>} : memref<200x64xf32, #tpu.memory_space<vmem>>, vector<1x16xf32>,
        %parallel_loop3A_415 = vector.shape_cast %parallel_loop3A_414 : vector<1x16xf32> to vector<16xf32>
        %parallel_loop3A_416 = arith.constant 0 : i32
        %parallel_loop3A_417 = arith.index_cast %parallel_loop3A_416 : i32 to index
        %parallel_loop3A_418 = arith.index_cast %parallel_loop3A_411 : i32 to index
        %parallel_loop3A_419 = arith.constant 0 : index
        %parallel_loop3A_420 = tpu.vector_load %arg8[%parallel_loop3A_417, %parallel_loop3A_418, %parallel_loop3A_419] {strides = array<i32>} : memref<4x200x64xf32, #tpu.memory_space<vmem>>, vector<1x1x16xf32>,
        %parallel_loop3A_421 = vector.shape_cast %parallel_loop3A_420 : vector<1x1x16xf32> to vector<16xf32>
        %parallel_loop3A_422 = arith.addf %parallel_loop3A_421, %parallel_loop3A_415 : vector<16xf32>
        %parallel_loop3A_423 = arith.constant 0 : i32
        %parallel_loop3A_424 = arith.index_cast %parallel_loop3A_423 : i32 to index
        %parallel_loop3A_425 = arith.index_cast %parallel_loop3A_411 : i32 to index
        %parallel_loop3A_426 = arith.constant 0 : index
        %parallel_loop3A_427 = tpu.vector_load %arg8[%parallel_loop3A_424, %parallel_loop3A_425, %parallel_loop3A_426] {strides = array<i32>} : memref<4x200x64xf32, #tpu.memory_space<vmem>>, vector<1x1x16xf32>,
        %parallel_loop3A_428 = vector.shape_cast %parallel_loop3A_427 : vector<1x1x16xf32> to vector<16xf32>
        %parallel_loop3A_429 = vector.shape_cast %parallel_loop3A_422 : vector<16xf32> to vector<1x1x16xf32>
        tpu.vector_store %arg8[%parallel_loop3A_424, %parallel_loop3A_425, %parallel_loop3A_426], %parallel_loop3A_429 {strides = array<i32>} : memref<4x200x64xf32, #tpu.memory_space<vmem>>, vector<1x1x16xf32>,
        %parallel_loop3A_430 = arith.constant 1 : i32
        %parallel_loop3A_431 = arith.index_cast %parallel_loop3A_430 : i32 to index
        %parallel_loop3A_432 = arith.index_cast %parallel_loop3A_411 : i32 to index
        %parallel_loop3A_433 = arith.constant 0 : index
        %parallel_loop3A_434 = tpu.vector_load %arg8[%parallel_loop3A_431, %parallel_loop3A_432, %parallel_loop3A_433] {strides = array<i32>} : memref<4x200x64xf32, #tpu.memory_space<vmem>>, vector<1x1x16xf32>,
        %parallel_loop3A_435 = vector.shape_cast %parallel_loop3A_434 : vector<1x1x16xf32> to vector<16xf32>
        %parallel_loop3A_436 = arith.addf %parallel_loop3A_435, %parallel_loop3A_415 : vector<16xf32>
        %parallel_loop3A_437 = arith.constant 1 : i32
        %parallel_loop3A_438 = arith.index_cast %parallel_loop3A_437 : i32 to index
        %parallel_loop3A_439 = arith.index_cast %parallel_loop3A_411 : i32 to index
        %parallel_loop3A_440 = arith.constant 0 : index
        %parallel_loop3A_441 = tpu.vector_load %arg8[%parallel_loop3A_438, %parallel_loop3A_439, %parallel_loop3A_440] {strides = array<i32>} : memref<4x200x64xf32, #tpu.memory_space<vmem>>, vector<1x1x16xf32>,
        %parallel_loop3A_442 = vector.shape_cast %parallel_loop3A_441 : vector<1x1x16xf32> to vector<16xf32>
        %parallel_loop3A_443 = vector.shape_cast %parallel_loop3A_436 : vector<16xf32> to vector<1x1x16xf32>
        tpu.vector_store %arg8[%parallel_loop3A_438, %parallel_loop3A_439, %parallel_loop3A_440], %parallel_loop3A_443 {strides = array<i32>} : memref<4x200x64xf32, #tpu.memory_space<vmem>>, vector<1x1x16xf32>,
        %parallel_loop3A_444 = arith.constant 2 : i32
        %parallel_loop3A_445 = arith.index_cast %parallel_loop3A_444 : i32 to index
        %parallel_loop3A_446 = arith.index_cast %parallel_loop3A_411 : i32 to index
        %parallel_loop3A_447 = arith.constant 0 : index
        %parallel_loop3A_448 = tpu.vector_load %arg8[%parallel_loop3A_445, %parallel_loop3A_446, %parallel_loop3A_447] {strides = array<i32>} : memref<4x200x64xf32, #tpu.memory_space<vmem>>, vector<1x1x16xf32>,
        %parallel_loop3A_449 = vector.shape_cast %parallel_loop3A_448 : vector<1x1x16xf32> to vector<16xf32>
        %parallel_loop3A_450 = arith.addf %parallel_loop3A_449, %parallel_loop3A_415 : vector<16xf32>
        %parallel_loop3A_451 = arith.constant 2 : i32
        %parallel_loop3A_452 = arith.index_cast %parallel_loop3A_451 : i32 to index
        %parallel_loop3A_453 = arith.index_cast %parallel_loop3A_411 : i32 to index
        %parallel_loop3A_454 = arith.constant 0 : index
        %parallel_loop3A_455 = tpu.vector_load %arg8[%parallel_loop3A_452, %parallel_loop3A_453, %parallel_loop3A_454] {strides = array<i32>} : memref<4x200x64xf32, #tpu.memory_space<vmem>>, vector<1x1x16xf32>,
        %parallel_loop3A_456 = vector.shape_cast %parallel_loop3A_455 : vector<1x1x16xf32> to vector<16xf32>
        %parallel_loop3A_457 = vector.shape_cast %parallel_loop3A_450 : vector<16xf32> to vector<1x1x16xf32>
        tpu.vector_store %arg8[%parallel_loop3A_452, %parallel_loop3A_453, %parallel_loop3A_454], %parallel_loop3A_457 {strides = array<i32>} : memref<4x200x64xf32, #tpu.memory_space<vmem>>, vector<1x1x16xf32>,
        %parallel_loop3A_458 = arith.constant 3 : i32
        %parallel_loop3A_459 = arith.index_cast %parallel_loop3A_458 : i32 to index
        %parallel_loop3A_460 = arith.index_cast %parallel_loop3A_411 : i32 to index
        %parallel_loop3A_461 = arith.constant 0 : index
        %parallel_loop3A_462 = tpu.vector_load %arg8[%parallel_loop3A_459, %parallel_loop3A_460, %parallel_loop3A_461] {strides = array<i32>} : memref<4x200x64xf32, #tpu.memory_space<vmem>>, vector<1x1x16xf32>,
        %parallel_loop3A_463 = vector.shape_cast %parallel_loop3A_462 : vector<1x1x16xf32> to vector<16xf32>
        %parallel_loop3A_464 = arith.addf %parallel_loop3A_463, %parallel_loop3A_415 : vector<16xf32>
        %parallel_loop3A_465 = arith.constant 3 : i32
        %parallel_loop3A_466 = arith.index_cast %parallel_loop3A_465 : i32 to index
        %parallel_loop3A_467 = arith.index_cast %parallel_loop3A_411 : i32 to index
        %parallel_loop3A_468 = arith.constant 0 : index
        %parallel_loop3A_469 = tpu.vector_load %arg8[%parallel_loop3A_466, %parallel_loop3A_467, %parallel_loop3A_468] {strides = array<i32>} : memref<4x200x64xf32, #tpu.memory_space<vmem>>, vector<1x1x16xf32>,
        %parallel_loop3A_470 = vector.shape_cast %parallel_loop3A_469 : vector<1x1x16xf32> to vector<16xf32>
        %parallel_loop3A_471 = vector.shape_cast %parallel_loop3A_464 : vector<16xf32> to vector<1x1x16xf32>
        tpu.vector_store %arg8[%parallel_loop3A_466, %parallel_loop3A_467, %parallel_loop3A_468], %parallel_loop3A_471 {strides = array<i32>} : memref<4x200x64xf32, #tpu.memory_space<vmem>>, vector<1x1x16xf32>,
        %parallel_loop3A_472 = arith.index_cast %parallel_loop3A_411 : i32 to index
        %parallel_loop3A_473 = arith.constant 16 : index
        %parallel_loop3A_474 = tpu.vector_load %arg10[%parallel_loop3A_472, %parallel_loop3A_473] {strides = array<i32>} : memref<200x64xf32, #tpu.memory_space<vmem>>, vector<1x16xf32>,
        %parallel_loop3A_475 = vector.shape_cast %parallel_loop3A_474 : vector<1x16xf32> to vector<16xf32>
        %parallel_loop3A_476 = arith.constant 0 : i32
        %parallel_loop3A_477 = arith.index_cast %parallel_loop3A_476 : i32 to index
        %parallel_loop3A_478 = arith.index_cast %parallel_loop3A_411 : i32 to index
        %parallel_loop3A_479 = arith.constant 16 : index
        %parallel_loop3A_480 = tpu.vector_load %arg8[%parallel_loop3A_477, %parallel_loop3A_478, %parallel_loop3A_479] {strides = array<i32>} : memref<4x200x64xf32, #tpu.memory_space<vmem>>, vector<1x1x16xf32>,
        %parallel_loop3A_481 = vector.shape_cast %parallel_loop3A_480 : vector<1x1x16xf32> to vector<16xf32>
        %parallel_loop3A_482 = arith.addf %parallel_loop3A_481, %parallel_loop3A_475 : vector<16xf32>
        %parallel_loop3A_483 = arith.constant 0 : i32
        %parallel_loop3A_484 = arith.index_cast %parallel_loop3A_483 : i32 to index
        %parallel_loop3A_485 = arith.index_cast %parallel_loop3A_411 : i32 to index
        %parallel_loop3A_486 = arith.constant 16 : index
        %parallel_loop3A_487 = tpu.vector_load %arg8[%parallel_loop3A_484, %parallel_loop3A_485, %parallel_loop3A_486] {strides = array<i32>} : memref<4x200x64xf32, #tpu.memory_space<vmem>>, vector<1x1x16xf32>,
        %parallel_loop3A_488 = vector.shape_cast %parallel_loop3A_487 : vector<1x1x16xf32> to vector<16xf32>
        %parallel_loop3A_489 = vector.shape_cast %parallel_loop3A_482 : vector<16xf32> to vector<1x1x16xf32>
        tpu.vector_store %arg8[%parallel_loop3A_484, %parallel_loop3A_485, %parallel_loop3A_486], %parallel_loop3A_489 {strides = array<i32>} : memref<4x200x64xf32, #tpu.memory_space<vmem>>, vector<1x1x16xf32>,
        %parallel_loop3A_490 = arith.constant 1 : i32
        %parallel_loop3A_491 = arith.index_cast %parallel_loop3A_490 : i32 to index
        %parallel_loop3A_492 = arith.index_cast %parallel_loop3A_411 : i32 to index
        %parallel_loop3A_493 = arith.constant 16 : index
        %parallel_loop3A_494 = tpu.vector_load %arg8[%parallel_loop3A_491, %parallel_loop3A_492, %parallel_loop3A_493] {strides = array<i32>} : memref<4x200x64xf32, #tpu.memory_space<vmem>>, vector<1x1x16xf32>,
        %parallel_loop3A_495 = vector.shape_cast %parallel_loop3A_494 : vector<1x1x16xf32> to vector<16xf32>
        %parallel_loop3A_496 = arith.addf %parallel_loop3A_495, %parallel_loop3A_475 : vector<16xf32>
        %parallel_loop3A_497 = arith.constant 1 : i32
        %parallel_loop3A_498 = arith.index_cast %parallel_loop3A_497 : i32 to index
        %parallel_loop3A_499 = arith.index_cast %parallel_loop3A_411 : i32 to index
        %parallel_loop3A_500 = arith.constant 16 : index
        %parallel_loop3A_501 = tpu.vector_load %arg8[%parallel_loop3A_498, %parallel_loop3A_499, %parallel_loop3A_500] {strides = array<i32>} : memref<4x200x64xf32, #tpu.memory_space<vmem>>, vector<1x1x16xf32>,
        %parallel_loop3A_502 = vector.shape_cast %parallel_loop3A_501 : vector<1x1x16xf32> to vector<16xf32>
        %parallel_loop3A_503 = vector.shape_cast %parallel_loop3A_496 : vector<16xf32> to vector<1x1x16xf32>
        tpu.vector_store %arg8[%parallel_loop3A_498, %parallel_loop3A_499, %parallel_loop3A_500], %parallel_loop3A_503 {strides = array<i32>} : memref<4x200x64xf32, #tpu.memory_space<vmem>>, vector<1x1x16xf32>,
        %parallel_loop3A_504 = arith.constant 2 : i32
        %parallel_loop3A_505 = arith.index_cast %parallel_loop3A_504 : i32 to index
        %parallel_loop3A_506 = arith.index_cast %parallel_loop3A_411 : i32 to index
        %parallel_loop3A_507 = arith.constant 16 : index
        %parallel_loop3A_508 = tpu.vector_load %arg8[%parallel_loop3A_505, %parallel_loop3A_506, %parallel_loop3A_507] {strides = array<i32>} : memref<4x200x64xf32, #tpu.memory_space<vmem>>, vector<1x1x16xf32>,
        %parallel_loop3A_509 = vector.shape_cast %parallel_loop3A_508 : vector<1x1x16xf32> to vector<16xf32>
        %parallel_loop3A_510 = arith.addf %parallel_loop3A_509, %parallel_loop3A_475 : vector<16xf32>
        %parallel_loop3A_511 = arith.constant 2 : i32
        %parallel_loop3A_512 = arith.index_cast %parallel_loop3A_511 : i32 to index
        %parallel_loop3A_513 = arith.index_cast %parallel_loop3A_411 : i32 to index
        %parallel_loop3A_514 = arith.constant 16 : index
        %parallel_loop3A_515 = tpu.vector_load %arg8[%parallel_loop3A_512, %parallel_loop3A_513, %parallel_loop3A_514] {strides = array<i32>} : memref<4x200x64xf32, #tpu.memory_space<vmem>>, vector<1x1x16xf32>,
        %parallel_loop3A_516 = vector.shape_cast %parallel_loop3A_515 : vector<1x1x16xf32> to vector<16xf32>
        %parallel_loop3A_517 = vector.shape_cast %parallel_loop3A_510 : vector<16xf32> to vector<1x1x16xf32>
        tpu.vector_store %arg8[%parallel_loop3A_512, %parallel_loop3A_513, %parallel_loop3A_514], %parallel_loop3A_517 {strides = array<i32>} : memref<4x200x64xf32, #tpu.memory_space<vmem>>, vector<1x1x16xf32>,
        %parallel_loop3A_518 = arith.constant 3 : i32
        %parallel_loop3A_519 = arith.index_cast %parallel_loop3A_518 : i32 to index
        %parallel_loop3A_520 = arith.index_cast %parallel_loop3A_411 : i32 to index
        %parallel_loop3A_521 = arith.constant 16 : index
        %parallel_loop3A_522 = tpu.vector_load %arg8[%parallel_loop3A_519, %parallel_loop3A_520, %parallel_loop3A_521] {strides = array<i32>} : memref<4x200x64xf32, #tpu.memory_space<vmem>>, vector<1x1x16xf32>,
        %parallel_loop3A_523 = vector.shape_cast %parallel_loop3A_522 : vector<1x1x16xf32> to vector<16xf32>
        %parallel_loop3A_524 = arith.addf %parallel_loop3A_523, %parallel_loop3A_475 : vector<16xf32>
        %parallel_loop3A_525 = arith.constant 3 : i32
        %parallel_loop3A_526 = arith.index_cast %parallel_loop3A_525 : i32 to index
        %parallel_loop3A_527 = arith.index_cast %parallel_loop3A_411 : i32 to index
        %parallel_loop3A_528 = arith.constant 16 : index
        %parallel_loop3A_529 = tpu.vector_load %arg8[%parallel_loop3A_526, %parallel_loop3A_527, %parallel_loop3A_528] {strides = array<i32>} : memref<4x200x64xf32, #tpu.memory_space<vmem>>, vector<1x1x16xf32>,
        %parallel_loop3A_530 = vector.shape_cast %parallel_loop3A_529 : vector<1x1x16xf32> to vector<16xf32>
        %parallel_loop3A_531 = vector.shape_cast %parallel_loop3A_524 : vector<16xf32> to vector<1x1x16xf32>
        tpu.vector_store %arg8[%parallel_loop3A_526, %parallel_loop3A_527, %parallel_loop3A_528], %parallel_loop3A_531 {strides = array<i32>} : memref<4x200x64xf32, #tpu.memory_space<vmem>>, vector<1x1x16xf32>,
        %parallel_loop3A_532 = arith.index_cast %parallel_loop3A_411 : i32 to index
        %parallel_loop3A_533 = arith.constant 32 : index
        %parallel_loop3A_534 = tpu.vector_load %arg10[%parallel_loop3A_532, %parallel_loop3A_533] {strides = array<i32>} : memref<200x64xf32, #tpu.memory_space<vmem>>, vector<1x16xf32>,
        %parallel_loop3A_535 = vector.shape_cast %parallel_loop3A_534 : vector<1x16xf32> to vector<16xf32>
        %parallel_loop3A_536 = arith.constant 0 : i32
        %parallel_loop3A_537 = arith.index_cast %parallel_loop3A_536 : i32 to index
        %parallel_loop3A_538 = arith.index_cast %parallel_loop3A_411 : i32 to index
        %parallel_loop3A_539 = arith.constant 32 : index
        %parallel_loop3A_540 = tpu.vector_load %arg8[%parallel_loop3A_537, %parallel_loop3A_538, %parallel_loop3A_539] {strides = array<i32>} : memref<4x200x64xf32, #tpu.memory_space<vmem>>, vector<1x1x16xf32>,
        %parallel_loop3A_541 = vector.shape_cast %parallel_loop3A_540 : vector<1x1x16xf32> to vector<16xf32>
        %parallel_loop3A_542 = arith.addf %parallel_loop3A_541, %parallel_loop3A_535 : vector<16xf32>
        %parallel_loop3A_543 = arith.constant 0 : i32
        %parallel_loop3A_544 = arith.index_cast %parallel_loop3A_543 : i32 to index
        %parallel_loop3A_545 = arith.index_cast %parallel_loop3A_411 : i32 to index
        %parallel_loop3A_546 = arith.constant 32 : index
        %parallel_loop3A_547 = tpu.vector_load %arg8[%parallel_loop3A_544, %parallel_loop3A_545, %parallel_loop3A_546] {strides = array<i32>} : memref<4x200x64xf32, #tpu.memory_space<vmem>>, vector<1x1x16xf32>,
        %parallel_loop3A_548 = vector.shape_cast %parallel_loop3A_547 : vector<1x1x16xf32> to vector<16xf32>
        %parallel_loop3A_549 = vector.shape_cast %parallel_loop3A_542 : vector<16xf32> to vector<1x1x16xf32>
        tpu.vector_store %arg8[%parallel_loop3A_544, %parallel_loop3A_545, %parallel_loop3A_546], %parallel_loop3A_549 {strides = array<i32>} : memref<4x200x64xf32, #tpu.memory_space<vmem>>, vector<1x1x16xf32>,
        %parallel_loop3A_550 = arith.constant 1 : i32
        %parallel_loop3A_551 = arith.index_cast %parallel_loop3A_550 : i32 to index
        %parallel_loop3A_552 = arith.index_cast %parallel_loop3A_411 : i32 to index
        %parallel_loop3A_553 = arith.constant 32 : index
        %parallel_loop3A_554 = tpu.vector_load %arg8[%parallel_loop3A_551, %parallel_loop3A_552, %parallel_loop3A_553] {strides = array<i32>} : memref<4x200x64xf32, #tpu.memory_space<vmem>>, vector<1x1x16xf32>,
        %parallel_loop3A_555 = vector.shape_cast %parallel_loop3A_554 : vector<1x1x16xf32> to vector<16xf32>
        %parallel_loop3A_556 = arith.addf %parallel_loop3A_555, %parallel_loop3A_535 : vector<16xf32>
        %parallel_loop3A_557 = arith.constant 1 : i32
        %parallel_loop3A_558 = arith.index_cast %parallel_loop3A_557 : i32 to index
        %parallel_loop3A_559 = arith.index_cast %parallel_loop3A_411 : i32 to index
        %parallel_loop3A_560 = arith.constant 32 : index
        %parallel_loop3A_561 = tpu.vector_load %arg8[%parallel_loop3A_558, %parallel_loop3A_559, %parallel_loop3A_560] {strides = array<i32>} : memref<4x200x64xf32, #tpu.memory_space<vmem>>, vector<1x1x16xf32>,
        %parallel_loop3A_562 = vector.shape_cast %parallel_loop3A_561 : vector<1x1x16xf32> to vector<16xf32>
        %parallel_loop3A_563 = vector.shape_cast %parallel_loop3A_556 : vector<16xf32> to vector<1x1x16xf32>
        tpu.vector_store %arg8[%parallel_loop3A_558, %parallel_loop3A_559, %parallel_loop3A_560], %parallel_loop3A_563 {strides = array<i32>} : memref<4x200x64xf32, #tpu.memory_space<vmem>>, vector<1x1x16xf32>,
        %parallel_loop3A_564 = arith.constant 2 : i32
        %parallel_loop3A_565 = arith.index_cast %parallel_loop3A_564 : i32 to index
        %parallel_loop3A_566 = arith.index_cast %parallel_loop3A_411 : i32 to index
        %parallel_loop3A_567 = arith.constant 32 : index
        %parallel_loop3A_568 = tpu.vector_load %arg8[%parallel_loop3A_565, %parallel_loop3A_566, %parallel_loop3A_567] {strides = array<i32>} : memref<4x200x64xf32, #tpu.memory_space<vmem>>, vector<1x1x16xf32>,
        %parallel_loop3A_569 = vector.shape_cast %parallel_loop3A_568 : vector<1x1x16xf32> to vector<16xf32>
        %parallel_loop3A_570 = arith.addf %parallel_loop3A_569, %parallel_loop3A_535 : vector<16xf32>
        %parallel_loop3A_571 = arith.constant 2 : i32
        %parallel_loop3A_572 = arith.index_cast %parallel_loop3A_571 : i32 to index
        %parallel_loop3A_573 = arith.index_cast %parallel_loop3A_411 : i32 to index
        %parallel_loop3A_574 = arith.constant 32 : index
        %parallel_loop3A_575 = tpu.vector_load %arg8[%parallel_loop3A_572, %parallel_loop3A_573, %parallel_loop3A_574] {strides = array<i32>} : memref<4x200x64xf32, #tpu.memory_space<vmem>>, vector<1x1x16xf32>,
        %parallel_loop3A_576 = vector.shape_cast %parallel_loop3A_575 : vector<1x1x16xf32> to vector<16xf32>
        %parallel_loop3A_577 = vector.shape_cast %parallel_loop3A_570 : vector<16xf32> to vector<1x1x16xf32>
        tpu.vector_store %arg8[%parallel_loop3A_572, %parallel_loop3A_573, %parallel_loop3A_574], %parallel_loop3A_577 {strides = array<i32>} : memref<4x200x64xf32, #tpu.memory_space<vmem>>, vector<1x1x16xf32>,
        %parallel_loop3A_578 = arith.constant 3 : i32
        %parallel_loop3A_579 = arith.index_cast %parallel_loop3A_578 : i32 to index
        %parallel_loop3A_580 = arith.index_cast %parallel_loop3A_411 : i32 to index
        %parallel_loop3A_581 = arith.constant 32 : index
        %parallel_loop3A_582 = tpu.vector_load %arg8[%parallel_loop3A_579, %parallel_loop3A_580, %parallel_loop3A_581] {strides = array<i32>} : memref<4x200x64xf32, #tpu.memory_space<vmem>>, vector<1x1x16xf32>,
        %parallel_loop3A_583 = vector.shape_cast %parallel_loop3A_582 : vector<1x1x16xf32> to vector<16xf32>
        %parallel_loop3A_584 = arith.addf %parallel_loop3A_583, %parallel_loop3A_535 : vector<16xf32>
        %parallel_loop3A_585 = arith.constant 3 : i32
        %parallel_loop3A_586 = arith.index_cast %parallel_loop3A_585 : i32 to index
        %parallel_loop3A_587 = arith.index_cast %parallel_loop3A_411 : i32 to index
        %parallel_loop3A_588 = arith.constant 32 : index
        %parallel_loop3A_589 = tpu.vector_load %arg8[%parallel_loop3A_586, %parallel_loop3A_587, %parallel_loop3A_588] {strides = array<i32>} : memref<4x200x64xf32, #tpu.memory_space<vmem>>, vector<1x1x16xf32>,
        %parallel_loop3A_590 = vector.shape_cast %parallel_loop3A_589 : vector<1x1x16xf32> to vector<16xf32>
        %parallel_loop3A_591 = vector.shape_cast %parallel_loop3A_584 : vector<16xf32> to vector<1x1x16xf32>
        tpu.vector_store %arg8[%parallel_loop3A_586, %parallel_loop3A_587, %parallel_loop3A_588], %parallel_loop3A_591 {strides = array<i32>} : memref<4x200x64xf32, #tpu.memory_space<vmem>>, vector<1x1x16xf32>,
        %parallel_loop3A_592 = arith.index_cast %parallel_loop3A_411 : i32 to index
        %parallel_loop3A_593 = arith.constant 48 : index
        %parallel_loop3A_594 = tpu.vector_load %arg10[%parallel_loop3A_592, %parallel_loop3A_593] {strides = array<i32>} : memref<200x64xf32, #tpu.memory_space<vmem>>, vector<1x16xf32>,
        %parallel_loop3A_595 = vector.shape_cast %parallel_loop3A_594 : vector<1x16xf32> to vector<16xf32>
        %parallel_loop3A_596 = arith.constant 0 : i32
        %parallel_loop3A_597 = arith.index_cast %parallel_loop3A_596 : i32 to index
        %parallel_loop3A_598 = arith.index_cast %parallel_loop3A_411 : i32 to index
        %parallel_loop3A_599 = arith.constant 48 : index
        %parallel_loop3A_600 = tpu.vector_load %arg8[%parallel_loop3A_597, %parallel_loop3A_598, %parallel_loop3A_599] {strides = array<i32>} : memref<4x200x64xf32, #tpu.memory_space<vmem>>, vector<1x1x16xf32>,
        %parallel_loop3A_601 = vector.shape_cast %parallel_loop3A_600 : vector<1x1x16xf32> to vector<16xf32>
        %parallel_loop3A_602 = arith.addf %parallel_loop3A_601, %parallel_loop3A_595 : vector<16xf32>
        %parallel_loop3A_603 = arith.constant 0 : i32
        %parallel_loop3A_604 = arith.index_cast %parallel_loop3A_603 : i32 to index
        %parallel_loop3A_605 = arith.index_cast %parallel_loop3A_411 : i32 to index
        %parallel_loop3A_606 = arith.constant 48 : index
        %parallel_loop3A_607 = tpu.vector_load %arg8[%parallel_loop3A_604, %parallel_loop3A_605, %parallel_loop3A_606] {strides = array<i32>} : memref<4x200x64xf32, #tpu.memory_space<vmem>>, vector<1x1x16xf32>,
        %parallel_loop3A_608 = vector.shape_cast %parallel_loop3A_607 : vector<1x1x16xf32> to vector<16xf32>
        %parallel_loop3A_609 = vector.shape_cast %parallel_loop3A_602 : vector<16xf32> to vector<1x1x16xf32>
        tpu.vector_store %arg8[%parallel_loop3A_604, %parallel_loop3A_605, %parallel_loop3A_606], %parallel_loop3A_609 {strides = array<i32>} : memref<4x200x64xf32, #tpu.memory_space<vmem>>, vector<1x1x16xf32>,
        %parallel_loop3A_610 = arith.constant 1 : i32
        %parallel_loop3A_611 = arith.index_cast %parallel_loop3A_610 : i32 to index
        %parallel_loop3A_612 = arith.index_cast %parallel_loop3A_411 : i32 to index
        %parallel_loop3A_613 = arith.constant 48 : index
        %parallel_loop3A_614 = tpu.vector_load %arg8[%parallel_loop3A_611, %parallel_loop3A_612, %parallel_loop3A_613] {strides = array<i32>} : memref<4x200x64xf32, #tpu.memory_space<vmem>>, vector<1x1x16xf32>,
        %parallel_loop3A_615 = vector.shape_cast %parallel_loop3A_614 : vector<1x1x16xf32> to vector<16xf32>
        %parallel_loop3A_616 = arith.addf %parallel_loop3A_615, %parallel_loop3A_595 : vector<16xf32>
        %parallel_loop3A_617 = arith.constant 1 : i32
        %parallel_loop3A_618 = arith.index_cast %parallel_loop3A_617 : i32 to index
        %parallel_loop3A_619 = arith.index_cast %parallel_loop3A_411 : i32 to index
        %parallel_loop3A_620 = arith.constant 48 : index
        %parallel_loop3A_621 = tpu.vector_load %arg8[%parallel_loop3A_618, %parallel_loop3A_619, %parallel_loop3A_620] {strides = array<i32>} : memref<4x200x64xf32, #tpu.memory_space<vmem>>, vector<1x1x16xf32>,
        %parallel_loop3A_622 = vector.shape_cast %parallel_loop3A_621 : vector<1x1x16xf32> to vector<16xf32>
        %parallel_loop3A_623 = vector.shape_cast %parallel_loop3A_616 : vector<16xf32> to vector<1x1x16xf32>
        tpu.vector_store %arg8[%parallel_loop3A_618, %parallel_loop3A_619, %parallel_loop3A_620], %parallel_loop3A_623 {strides = array<i32>} : memref<4x200x64xf32, #tpu.memory_space<vmem>>, vector<1x1x16xf32>,
        %parallel_loop3A_624 = arith.constant 2 : i32
        %parallel_loop3A_625 = arith.index_cast %parallel_loop3A_624 : i32 to index
        %parallel_loop3A_626 = arith.index_cast %parallel_loop3A_411 : i32 to index
        %parallel_loop3A_627 = arith.constant 48 : index
        %parallel_loop3A_628 = tpu.vector_load %arg8[%parallel_loop3A_625, %parallel_loop3A_626, %parallel_loop3A_627] {strides = array<i32>} : memref<4x200x64xf32, #tpu.memory_space<vmem>>, vector<1x1x16xf32>,
        %parallel_loop3A_629 = vector.shape_cast %parallel_loop3A_628 : vector<1x1x16xf32> to vector<16xf32>
        %parallel_loop3A_630 = arith.addf %parallel_loop3A_629, %parallel_loop3A_595 : vector<16xf32>
        %parallel_loop3A_631 = arith.constant 2 : i32
        %parallel_loop3A_632 = arith.index_cast %parallel_loop3A_631 : i32 to index
        %parallel_loop3A_633 = arith.index_cast %parallel_loop3A_411 : i32 to index
        %parallel_loop3A_634 = arith.constant 48 : index
        %parallel_loop3A_635 = tpu.vector_load %arg8[%parallel_loop3A_632, %parallel_loop3A_633, %parallel_loop3A_634] {strides = array<i32>} : memref<4x200x64xf32, #tpu.memory_space<vmem>>, vector<1x1x16xf32>,
        %parallel_loop3A_636 = vector.shape_cast %parallel_loop3A_635 : vector<1x1x16xf32> to vector<16xf32>
        %parallel_loop3A_637 = vector.shape_cast %parallel_loop3A_630 : vector<16xf32> to vector<1x1x16xf32>
        tpu.vector_store %arg8[%parallel_loop3A_632, %parallel_loop3A_633, %parallel_loop3A_634], %parallel_loop3A_637 {strides = array<i32>} : memref<4x200x64xf32, #tpu.memory_space<vmem>>, vector<1x1x16xf32>,
        %parallel_loop3A_638 = arith.constant 3 : i32
        %parallel_loop3A_639 = arith.index_cast %parallel_loop3A_638 : i32 to index
        %parallel_loop3A_640 = arith.index_cast %parallel_loop3A_411 : i32 to index
        %parallel_loop3A_641 = arith.constant 48 : index
        %parallel_loop3A_642 = tpu.vector_load %arg8[%parallel_loop3A_639, %parallel_loop3A_640, %parallel_loop3A_641] {strides = array<i32>} : memref<4x200x64xf32, #tpu.memory_space<vmem>>, vector<1x1x16xf32>,
        %parallel_loop3A_643 = vector.shape_cast %parallel_loop3A_642 : vector<1x1x16xf32> to vector<16xf32>
        %parallel_loop3A_644 = arith.addf %parallel_loop3A_643, %parallel_loop3A_595 : vector<16xf32>
        %parallel_loop3A_645 = arith.constant 3 : i32
        %parallel_loop3A_646 = arith.index_cast %parallel_loop3A_645 : i32 to index
        %parallel_loop3A_647 = arith.index_cast %parallel_loop3A_411 : i32 to index
        %parallel_loop3A_648 = arith.constant 48 : index
        %parallel_loop3A_649 = tpu.vector_load %arg8[%parallel_loop3A_646, %parallel_loop3A_647, %parallel_loop3A_648] {strides = array<i32>} : memref<4x200x64xf32, #tpu.memory_space<vmem>>, vector<1x1x16xf32>,
        %parallel_loop3A_650 = vector.shape_cast %parallel_loop3A_649 : vector<1x1x16xf32> to vector<16xf32>
        %parallel_loop3A_651 = vector.shape_cast %parallel_loop3A_644 : vector<16xf32> to vector<1x1x16xf32>
        tpu.vector_store %arg8[%parallel_loop3A_646, %parallel_loop3A_647, %parallel_loop3A_648], %parallel_loop3A_651 {strides = array<i32>} : memref<4x200x64xf32, #tpu.memory_space<vmem>>, vector<1x1x16xf32>,
      } {sc.loop_unroll_factor = 1 : i64, sc.parallel_access}
      %mul3A_255 = arith.constant 128 : i32
      %mul3A_256 = arith.muli %add3A, %mul3A_255 : i32
      %mul3A_257 = arith.constant 4 : i32
      %mul3A_258 = arith.muli %add3A_128, %mul3A_257 : i32
      %add3A_259 = arith.addi %mul3A_256, %mul3A_258 : i32
      %dma_start3A_260 = arith.constant 0 : i32
      %dma_start3A_261 = arith.constant 0 : i32
      %dma_start3A_262 = tpu.memref_slice %arg5[%add3A_259, %dma_start3A_260, %dma_start3A_261] : memref<4096x200x64xf32, #tpu.memory_space<hbm>> -> memref<4x200x64xf32, #tpu.memory_space<hbm>>
      %dma_start3A_263 = arith.constant 0 : i32
      %dma_start3A_264 = arith.constant 0 : i32
      %dma_start3A_265 = tpu.memref_slice %arg5[%add3A_259, %dma_start3A_263, %dma_start3A_264] : memref<4096x200x64xf32, #tpu.memory_space<hbm>> -> memref<4x200x64xf32, #tpu.memory_space<hbm>>
      tpu.enqueue_dma source(%arg8 : memref<4x200x64xf32, #tpu.memory_space<vmem>>) target(%dma_start3A_265 : memref<4x200x64xf32, #tpu.memory_space<hbm>>) target_semaphore(%arg13 : memref<!tpu.dma_semaphore, #tpu.memory_space<semaphore_mem>>)
      %mul3A_266 = arith.constant 2 : i32
      %mul3A_267 = arith.muli %scan3A_124, %mul3A_266 : i32
      %add3A_268 = arith.constant 1 : i32
      %add3A_269 = arith.addi %mul3A_267, %add3A_268 : i32
      %dma_wait3A_270 = arith.constant 0 : i32
      %dma_wait3A_271 = arith.constant 0 : i32
      %dma_wait3A_272 = arith.constant 0 : i32
      %dma_wait3A_273 = tpu.memref_slice %arg9[%dma_wait3A_270, %dma_wait3A_271, %dma_wait3A_272] : memref<4x200x64xf32, #tpu.memory_space<vmem>> -> memref<1x120x64xf32, #tpu.memory_space<vmem>>
      %dma_wait3A_274 = tpu.memref_squeeze %dma_wait3A_273 : memref<1x120x64xf32, #tpu.memory_space<vmem>> -> memref<120x64xf32, #tpu.memory_space<vmem>>
      %dma_wait3A_275 = arith.constant 0 : i32
      %dma_wait3A_276 = arith.constant 0 : i32
      %dma_wait3A_277 = tpu.memref_slice %arg3[%dma_wait3A_275, %dma_wait3A_276] : memref<1000000x64xf32, #tpu.memory_space<hbm>> -> memref<120x64xf32, #tpu.memory_space<hbm>>
      %dma_wait3A_278 = arith.constant 0 : i32
      %dma_wait3A_279 = arith.constant 0 : i32
      %dma_wait3A_280 = tpu.memref_slice %arg9[%dma_wait3A_270, %dma_wait3A_278, %dma_wait3A_279] : memref<4x200x64xf32, #tpu.memory_space<vmem>> -> memref<1x120x64xf32, #tpu.memory_space<vmem>>
      %dma_wait3A_281 = tpu.memref_squeeze %dma_wait3A_280 : memref<1x120x64xf32, #tpu.memory_space<vmem>> -> memref<120x64xf32, #tpu.memory_space<vmem>>
      %dma_wait3A_282 = arith.constant 0 : i32
      %dma_wait3A_283 = arith.constant 0 : i32
      %dma_wait3A_284 = tpu.memref_slice %arg3[%dma_wait3A_282, %dma_wait3A_283] : memref<1000000x64xf32, #tpu.memory_space<hbm>> -> memref<120x64xf32, #tpu.memory_space<hbm>>
      tpu.wait_dma2 semaphore(%arg12 : memref<!tpu.dma_semaphore, #tpu.memory_space<semaphore_mem>>) src(%dma_wait3A_284 : memref<120x64xf32, #tpu.memory_space<hbm>>) dst(%dma_wait3A_281 : memref<120x64xf32, #tpu.memory_space<vmem>>)
      %dma_wait3A_285 = arith.constant 0 : i32
      %dma_wait3A_286 = arith.constant 120 : i32
      %dma_wait3A_287 = arith.constant 0 : i32
      %dma_wait3A_288 = tpu.memref_slice %arg9[%dma_wait3A_285, %dma_wait3A_286, %dma_wait3A_287] : memref<4x200x64xf32, #tpu.memory_space<vmem>> -> memref<1x80x64xf32, #tpu.memory_space<vmem>>
      %dma_wait3A_289 = tpu.memref_squeeze %dma_wait3A_288 : memref<1x80x64xf32, #tpu.memory_space<vmem>> -> memref<80x64xf32, #tpu.memory_space<vmem>>
      %dma_wait3A_290 = arith.constant 0 : i32
      %dma_wait3A_291 = arith.constant 0 : i32
      %dma_wait3A_292 = tpu.memref_slice %arg3[%dma_wait3A_290, %dma_wait3A_291] : memref<1000000x64xf32, #tpu.memory_space<hbm>> -> memref<80x64xf32, #tpu.memory_space<hbm>>
      %dma_wait3A_293 = arith.constant 120 : i32
      %dma_wait3A_294 = arith.constant 0 : i32
      %dma_wait3A_295 = tpu.memref_slice %arg9[%dma_wait3A_285, %dma_wait3A_293, %dma_wait3A_294] : memref<4x200x64xf32, #tpu.memory_space<vmem>> -> memref<1x80x64xf32, #tpu.memory_space<vmem>>
      %dma_wait3A_296 = tpu.memref_squeeze %dma_wait3A_295 : memref<1x80x64xf32, #tpu.memory_space<vmem>> -> memref<80x64xf32, #tpu.memory_space<vmem>>
      %dma_wait3A_297 = arith.constant 0 : i32
      %dma_wait3A_298 = arith.constant 0 : i32
      %dma_wait3A_299 = tpu.memref_slice %arg3[%dma_wait3A_297, %dma_wait3A_298] : memref<1000000x64xf32, #tpu.memory_space<hbm>> -> memref<80x64xf32, #tpu.memory_space<hbm>>
      tpu.wait_dma2 semaphore(%arg12 : memref<!tpu.dma_semaphore, #tpu.memory_space<semaphore_mem>>) src(%dma_wait3A_299 : memref<80x64xf32, #tpu.memory_space<hbm>>) dst(%dma_wait3A_296 : memref<80x64xf32, #tpu.memory_space<vmem>>)
      %dma_wait3A_300 = arith.constant 1 : i32
      %dma_wait3A_301 = arith.constant 0 : i32
      %dma_wait3A_302 = arith.constant 0 : i32
      %dma_wait3A_303 = tpu.memref_slice %arg9[%dma_wait3A_300, %dma_wait3A_301, %dma_wait3A_302] : memref<4x200x64xf32, #tpu.memory_space<vmem>> -> memref<1x120x64xf32, #tpu.memory_space<vmem>>
      %dma_wait3A_304 = tpu.memref_squeeze %dma_wait3A_303 : memref<1x120x64xf32, #tpu.memory_space<vmem>> -> memref<120x64xf32, #tpu.memory_space<vmem>>
      %dma_wait3A_305 = arith.constant 0 : i32
      %dma_wait3A_306 = arith.constant 0 : i32
      %dma_wait3A_307 = tpu.memref_slice %arg3[%dma_wait3A_305, %dma_wait3A_306] : memref<1000000x64xf32, #tpu.memory_space<hbm>> -> memref<120x64xf32, #tpu.memory_space<hbm>>
      %dma_wait3A_308 = arith.constant 0 : i32
      %dma_wait3A_309 = arith.constant 0 : i32
      %dma_wait3A_310 = tpu.memref_slice %arg9[%dma_wait3A_300, %dma_wait3A_308, %dma_wait3A_309] : memref<4x200x64xf32, #tpu.memory_space<vmem>> -> memref<1x120x64xf32, #tpu.memory_space<vmem>>
      %dma_wait3A_311 = tpu.memref_squeeze %dma_wait3A_310 : memref<1x120x64xf32, #tpu.memory_space<vmem>> -> memref<120x64xf32, #tpu.memory_space<vmem>>
      %dma_wait3A_312 = arith.constant 0 : i32
      %dma_wait3A_313 = arith.constant 0 : i32
      %dma_wait3A_314 = tpu.memref_slice %arg3[%dma_wait3A_312, %dma_wait3A_313] : memref<1000000x64xf32, #tpu.memory_space<hbm>> -> memref<120x64xf32, #tpu.memory_space<hbm>>
      tpu.wait_dma2 semaphore(%arg12 : memref<!tpu.dma_semaphore, #tpu.memory_space<semaphore_mem>>) src(%dma_wait3A_314 : memref<120x64xf32, #tpu.memory_space<hbm>>) dst(%dma_wait3A_311 : memref<120x64xf32, #tpu.memory_space<vmem>>)
      %dma_wait3A_315 = arith.constant 1 : i32
      %dma_wait3A_316 = arith.constant 120 : i32
      %dma_wait3A_317 = arith.constant 0 : i32
      %dma_wait3A_318 = tpu.memref_slice %arg9[%dma_wait3A_315, %dma_wait3A_316, %dma_wait3A_317] : memref<4x200x64xf32, #tpu.memory_space<vmem>> -> memref<1x80x64xf32, #tpu.memory_space<vmem>>
      %dma_wait3A_319 = tpu.memref_squeeze %dma_wait3A_318 : memref<1x80x64xf32, #tpu.memory_space<vmem>> -> memref<80x64xf32, #tpu.memory_space<vmem>>
      %dma_wait3A_320 = arith.constant 0 : i32
      %dma_wait3A_321 = arith.constant 0 : i32
      %dma_wait3A_322 = tpu.memref_slice %arg3[%dma_wait3A_320, %dma_wait3A_321] : memref<1000000x64xf32, #tpu.memory_space<hbm>> -> memref<80x64xf32, #tpu.memory_space<hbm>>
      %dma_wait3A_323 = arith.constant 120 : i32
      %dma_wait3A_324 = arith.constant 0 : i32
      %dma_wait3A_325 = tpu.memref_slice %arg9[%dma_wait3A_315, %dma_wait3A_323, %dma_wait3A_324] : memref<4x200x64xf32, #tpu.memory_space<vmem>> -> memref<1x80x64xf32, #tpu.memory_space<vmem>>
      %dma_wait3A_326 = tpu.memref_squeeze %dma_wait3A_325 : memref<1x80x64xf32, #tpu.memory_space<vmem>> -> memref<80x64xf32, #tpu.memory_space<vmem>>
      %dma_wait3A_327 = arith.constant 0 : i32
      %dma_wait3A_328 = arith.constant 0 : i32
      %dma_wait3A_329 = tpu.memref_slice %arg3[%dma_wait3A_327, %dma_wait3A_328] : memref<1000000x64xf32, #tpu.memory_space<hbm>> -> memref<80x64xf32, #tpu.memory_space<hbm>>
      tpu.wait_dma2 semaphore(%arg12 : memref<!tpu.dma_semaphore, #tpu.memory_space<semaphore_mem>>) src(%dma_wait3A_329 : memref<80x64xf32, #tpu.memory_space<hbm>>) dst(%dma_wait3A_326 : memref<80x64xf32, #tpu.memory_space<vmem>>)
      %dma_wait3A_330 = arith.constant 2 : i32
      %dma_wait3A_331 = arith.constant 0 : i32
      %dma_wait3A_332 = arith.constant 0 : i32
      %dma_wait3A_333 = tpu.memref_slice %arg9[%dma_wait3A_330, %dma_wait3A_331, %dma_wait3A_332] : memref<4x200x64xf32, #tpu.memory_space<vmem>> -> memref<1x120x64xf32, #tpu.memory_space<vmem>>
      %dma_wait3A_334 = tpu.memref_squeeze %dma_wait3A_333 : memref<1x120x64xf32, #tpu.memory_space<vmem>> -> memref<120x64xf32, #tpu.memory_space<vmem>>
      %dma_wait3A_335 = arith.constant 0 : i32
      %dma_wait3A_336 = arith.constant 0 : i32
      %dma_wait3A_337 = tpu.memref_slice %arg3[%dma_wait3A_335, %dma_wait3A_336] : memref<1000000x64xf32, #tpu.memory_space<hbm>> -> memref<120x64xf32, #tpu.memory_space<hbm>>
      %dma_wait3A_338 = arith.constant 0 : i32
      %dma_wait3A_339 = arith.constant 0 : i32
      %dma_wait3A_340 = tpu.memref_slice %arg9[%dma_wait3A_330, %dma_wait3A_338, %dma_wait3A_339] : memref<4x200x64xf32, #tpu.memory_space<vmem>> -> memref<1x120x64xf32, #tpu.memory_space<vmem>>
      %dma_wait3A_341 = tpu.memref_squeeze %dma_wait3A_340 : memref<1x120x64xf32, #tpu.memory_space<vmem>> -> memref<120x64xf32, #tpu.memory_space<vmem>>
      %dma_wait3A_342 = arith.constant 0 : i32
      %dma_wait3A_343 = arith.constant 0 : i32
      %dma_wait3A_344 = tpu.memref_slice %arg3[%dma_wait3A_342, %dma_wait3A_343] : memref<1000000x64xf32, #tpu.memory_space<hbm>> -> memref<120x64xf32, #tpu.memory_space<hbm>>
      tpu.wait_dma2 semaphore(%arg12 : memref<!tpu.dma_semaphore, #tpu.memory_space<semaphore_mem>>) src(%dma_wait3A_344 : memref<120x64xf32, #tpu.memory_space<hbm>>) dst(%dma_wait3A_341 : memref<120x64xf32, #tpu.memory_space<vmem>>)
      %dma_wait3A_345 = arith.constant 2 : i32
      %dma_wait3A_346 = arith.constant 120 : i32
      %dma_wait3A_347 = arith.constant 0 : i32
      %dma_wait3A_348 = tpu.memref_slice %arg9[%dma_wait3A_345, %dma_wait3A_346, %dma_wait3A_347] : memref<4x200x64xf32, #tpu.memory_space<vmem>> -> memref<1x80x64xf32, #tpu.memory_space<vmem>>
      %dma_wait3A_349 = tpu.memref_squeeze %dma_wait3A_348 : memref<1x80x64xf32, #tpu.memory_space<vmem>> -> memref<80x64xf32, #tpu.memory_space<vmem>>
      %dma_wait3A_350 = arith.constant 0 : i32
      %dma_wait3A_351 = arith.constant 0 : i32
      %dma_wait3A_352 = tpu.memref_slice %arg3[%dma_wait3A_350, %dma_wait3A_351] : memref<1000000x64xf32, #tpu.memory_space<hbm>> -> memref<80x64xf32, #tpu.memory_space<hbm>>
      %dma_wait3A_353 = arith.constant 120 : i32
      %dma_wait3A_354 = arith.constant 0 : i32
      %dma_wait3A_355 = tpu.memref_slice %arg9[%dma_wait3A_345, %dma_wait3A_353, %dma_wait3A_354] : memref<4x200x64xf32, #tpu.memory_space<vmem>> -> memref<1x80x64xf32, #tpu.memory_space<vmem>>
      %dma_wait3A_356 = tpu.memref_squeeze %dma_wait3A_355 : memref<1x80x64xf32, #tpu.memory_space<vmem>> -> memref<80x64xf32, #tpu.memory_space<vmem>>
      %dma_wait3A_357 = arith.constant 0 : i32
      %dma_wait3A_358 = arith.constant 0 : i32
      %dma_wait3A_359 = tpu.memref_slice %arg3[%dma_wait3A_357, %dma_wait3A_358] : memref<1000000x64xf32, #tpu.memory_space<hbm>> -> memref<80x64xf32, #tpu.memory_space<hbm>>
      tpu.wait_dma2 semaphore(%arg12 : memref<!tpu.dma_semaphore, #tpu.memory_space<semaphore_mem>>) src(%dma_wait3A_359 : memref<80x64xf32, #tpu.memory_space<hbm>>) dst(%dma_wait3A_356 : memref<80x64xf32, #tpu.memory_space<vmem>>)
      %dma_wait3A_360 = arith.constant 3 : i32
      %dma_wait3A_361 = arith.constant 0 : i32
      %dma_wait3A_362 = arith.constant 0 : i32
      %dma_wait3A_363 = tpu.memref_slice %arg9[%dma_wait3A_360, %dma_wait3A_361, %dma_wait3A_362] : memref<4x200x64xf32, #tpu.memory_space<vmem>> -> memref<1x120x64xf32, #tpu.memory_space<vmem>>
      %dma_wait3A_364 = tpu.memref_squeeze %dma_wait3A_363 : memref<1x120x64xf32, #tpu.memory_space<vmem>> -> memref<120x64xf32, #tpu.memory_space<vmem>>
      %dma_wait3A_365 = arith.constant 0 : i32
      %dma_wait3A_366 = arith.constant 0 : i32
      %dma_wait3A_367 = tpu.memref_slice %arg3[%dma_wait3A_365, %dma_wait3A_366] : memref<1000000x64xf32, #tpu.memory_space<hbm>> -> memref<120x64xf32, #tpu.memory_space<hbm>>
      %dma_wait3A_368 = arith.constant 0 : i32
      %dma_wait3A_369 = arith.constant 0 : i32
      %dma_wait3A_370 = tpu.memref_slice %arg9[%dma_wait3A_360, %dma_wait3A_368, %dma_wait3A_369] : memref<4x200x64xf32, #tpu.memory_space<vmem>> -> memref<1x120x64xf32, #tpu.memory_space<vmem>>
      %dma_wait3A_371 = tpu.memref_squeeze %dma_wait3A_370 : memref<1x120x64xf32, #tpu.memory_space<vmem>> -> memref<120x64xf32, #tpu.memory_space<vmem>>
      %dma_wait3A_372 = arith.constant 0 : i32
      %dma_wait3A_373 = arith.constant 0 : i32
      %dma_wait3A_374 = tpu.memref_slice %arg3[%dma_wait3A_372, %dma_wait3A_373] : memref<1000000x64xf32, #tpu.memory_space<hbm>> -> memref<120x64xf32, #tpu.memory_space<hbm>>
      tpu.wait_dma2 semaphore(%arg12 : memref<!tpu.dma_semaphore, #tpu.memory_space<semaphore_mem>>) src(%dma_wait3A_374 : memref<120x64xf32, #tpu.memory_space<hbm>>) dst(%dma_wait3A_371 : memref<120x64xf32, #tpu.memory_space<vmem>>)
      %dma_wait3A_375 = arith.constant 3 : i32
      %dma_wait3A_376 = arith.constant 120 : i32
      %dma_wait3A_377 = arith.constant 0 : i32
      %dma_wait3A_378 = tpu.memref_slice %arg9[%dma_wait3A_375, %dma_wait3A_376, %dma_wait3A_377] : memref<4x200x64xf32, #tpu.memory_space<vmem>> -> memref<1x80x64xf32, #tpu.memory_space<vmem>>
      %dma_wait3A_379 = tpu.memref_squeeze %dma_wait3A_378 : memref<1x80x64xf32, #tpu.memory_space<vmem>> -> memref<80x64xf32, #tpu.memory_space<vmem>>
      %dma_wait3A_380 = arith.constant 0 : i32
      %dma_wait3A_381 = arith.constant 0 : i32
      %dma_wait3A_382 = tpu.memref_slice %arg3[%dma_wait3A_380, %dma_wait3A_381] : memref<1000000x64xf32, #tpu.memory_space<hbm>> -> memref<80x64xf32, #tpu.memory_space<hbm>>
      %dma_wait3A_383 = arith.constant 120 : i32
      %dma_wait3A_384 = arith.constant 0 : i32
      %dma_wait3A_385 = tpu.memref_slice %arg9[%dma_wait3A_375, %dma_wait3A_383, %dma_wait3A_384] : memref<4x200x64xf32, #tpu.memory_space<vmem>> -> memref<1x80x64xf32, #tpu.memory_space<vmem>>
      %dma_wait3A_386 = tpu.memref_squeeze %dma_wait3A_385 : memref<1x80x64xf32, #tpu.memory_space<vmem>> -> memref<80x64xf32, #tpu.memory_space<vmem>>
      %dma_wait3A_387 = arith.constant 0 : i32
      %dma_wait3A_388 = arith.constant 0 : i32
      %dma_wait3A_389 = tpu.memref_slice %arg3[%dma_wait3A_387, %dma_wait3A_388] : memref<1000000x64xf32, #tpu.memory_space<hbm>> -> memref<80x64xf32, #tpu.memory_space<hbm>>
      tpu.wait_dma2 semaphore(%arg12 : memref<!tpu.dma_semaphore, #tpu.memory_space<semaphore_mem>>) src(%dma_wait3A_389 : memref<80x64xf32, #tpu.memory_space<hbm>>) dst(%dma_wait3A_386 : memref<80x64xf32, #tpu.memory_space<vmem>>)
      %add3A_390 = arith.constant 1 : i32
      %add3A_391 = arith.addi %add3A_269, %add3A_390 : i32
      %lt3A_392 = arith.constant 32 : i32
      %lt3A_393 = arith.cmpi slt, %add3A_391, %lt3A_392 : i32
      %convert_element_type3A_394 = arith.extui %lt3A_393 : i1 to i32
      %cond3A_395 = arith.constant 0 : i32
      %cond3A_396 = arith.cmpi ne, %convert_element_type3A_394, %cond3A_395 : i32
      scf.if %cond3A_396 {
        %gt3A = arith.constant 0 : i32
        %gt3A_411 = arith.cmpi sgt, %add3A_269, %gt3A : i32
        %convert_element_type3A_412 = arith.extui %gt3A_411 : i1 to i32
        %cond3A_413 = arith.constant 0 : i32
        %cond3A_414 = arith.cmpi ne, %convert_element_type3A_412, %cond3A_413 : i32
        scf.if %cond3A_414 {
          %sub3A = arith.constant 1 : i32
          %sub3A_518 = arith.subi %add3A_269, %sub3A : i32
          %mul3A_519 = arith.constant 128 : i32
          %mul3A_520 = arith.muli %add3A, %mul3A_519 : i32
          %mul3A_521 = arith.constant 4 : i32
          %mul3A_522 = arith.muli %sub3A_518, %mul3A_521 : i32
          %add3A_523 = arith.addi %mul3A_520, %mul3A_522 : i32
          %dma_wait3A_524 = arith.constant 0 : i32
          %dma_wait3A_525 = arith.constant 0 : i32
          %dma_wait3A_526 = tpu.memref_slice %arg5[%add3A_523, %dma_wait3A_524, %dma_wait3A_525] : memref<4096x200x64xf32, #tpu.memory_space<hbm>> -> memref<4x200x64xf32, #tpu.memory_space<hbm>>
          %dma_wait3A_527 = arith.constant 0 : i32
          %dma_wait3A_528 = arith.constant 0 : i32
          %dma_wait3A_529 = tpu.memref_slice %arg5[%add3A_523, %dma_wait3A_527, %dma_wait3A_528] : memref<4096x200x64xf32, #tpu.memory_space<hbm>> -> memref<4x200x64xf32, #tpu.memory_space<hbm>>
          tpu.wait_dma2 semaphore(%arg13 : memref<!tpu.dma_semaphore, #tpu.memory_space<semaphore_mem>>) src(%arg8 : memref<4x200x64xf32, #tpu.memory_space<vmem>>) dst(%dma_wait3A_529 : memref<4x200x64xf32, #tpu.memory_space<hbm>>)
        } else {
        }
        %add3A_415 = arith.constant 1 : i32
        %add3A_416 = arith.addi %add3A_269, %add3A_415 : i32
        %mul3A_417 = arith.constant 128 : i32
        %mul3A_418 = arith.muli %add3A, %mul3A_417 : i32
        %mul3A_419 = arith.constant 4 : i32
        %mul3A_420 = arith.muli %add3A_416, %mul3A_419 : i32
        %add3A_421 = arith.addi %mul3A_418, %mul3A_420 : i32
        "tpu.region"() ({
          %run_scoped3A = tpu.sem_alloc : memref<!tpu.dma_semaphore, #tpu.memory_space<semaphore_mem>>
          %dma_start3A_518 = arith.constant 0 : i32
          %dma_start3A_519 = tpu.memref_slice %arg2[%add3A_421, %dma_start3A_518] : memref<4096x200xi32, #tpu.memory_space<hbm>> -> memref<4x200xi32, #tpu.memory_space<hbm>>
          %dma_start3A_520 = arith.constant 0 : i32
          %dma_start3A_521 = tpu.memref_slice %arg2[%add3A_421, %dma_start3A_520] : memref<4096x200xi32, #tpu.memory_space<hbm>> -> memref<4x200xi32, #tpu.memory_space<hbm>>
          tpu.enqueue_dma source(%dma_start3A_521 : memref<4x200xi32, #tpu.memory_space<hbm>>) target(%arg6 : memref<4x200xi32, #tpu.memory_space<vmem>>) target_semaphore(%run_scoped3A : memref<!tpu.dma_semaphore, #tpu.memory_space<semaphore_mem>>)
          %dma_wait3A_522 = arith.constant 0 : i32
          %dma_wait3A_523 = tpu.memref_slice %arg2[%add3A_421, %dma_wait3A_522] : memref<4096x200xi32, #tpu.memory_space<hbm>> -> memref<4x200xi32, #tpu.memory_space<hbm>>
          %dma_wait3A_524 = arith.constant 0 : i32
          %dma_wait3A_525 = tpu.memref_slice %arg2[%add3A_421, %dma_wait3A_524] : memref<4096x200xi32, #tpu.memory_space<hbm>> -> memref<4x200xi32, #tpu.memory_space<hbm>>
          tpu.wait_dma2 semaphore(%run_scoped3A : memref<!tpu.dma_semaphore, #tpu.memory_space<semaphore_mem>>) src(%dma_wait3A_525 : memref<4x200xi32, #tpu.memory_space<hbm>>) dst(%arg6 : memref<4x200xi32, #tpu.memory_space<vmem>>)
          tpu.yield
        }) : () -> ()
        %dma_start3A_422 = arith.constant 0 : i32
        %dma_start3A_423 = arith.constant 0 : i32
        %dma_start3A_424 = arith.constant 0 : i32
        %dma_start3A_425 = arith.constant 0 : i32
        %dma_start3A_426 = tpu.memref_slice %arg8[%dma_start3A_423, %dma_start3A_424, %dma_start3A_425] : memref<4x200x64xf32, #tpu.memory_space<vmem>> -> memref<1x120x64xf32, #tpu.memory_space<vmem>>
        %dma_start3A_427 = tpu.memref_squeeze %dma_start3A_426 : memref<1x120x64xf32, #tpu.memory_space<vmem>> -> memref<120x64xf32, #tpu.memory_space<vmem>>
        %dma_start3A_428 = arith.constant 0 : i32
        %dma_start3A_429 = tpu.memref_slice %arg6[%dma_start3A_422, %dma_start3A_428] : memref<4x200xi32, #tpu.memory_space<vmem>> -> memref<1x120xi32, #tpu.memory_space<vmem>>
        %dma_start3A_430 = tpu.memref_squeeze %dma_start3A_429 : memref<1x120xi32, #tpu.memory_space<vmem>> -> memref<120xi32, #tpu.memory_space<vmem>>
        %dma_start3A_431 = arith.constant 0 : i32
        %dma_start3A_432 = arith.constant 0 : i32
        %dma_start3A_433 = tpu.memref_slice %arg3[%dma_start3A_431, %dma_start3A_432] : memref<1000000x64xf32, #tpu.memory_space<hbm>> -> memref<1000000x64xf32, #tpu.memory_space<hbm>>
        tpu.enqueue_indirect_dma source(%dma_start3A_433 : memref<1000000x64xf32, #tpu.memory_space<hbm>>) target(%dma_start3A_427 : memref<120x64xf32, #tpu.memory_space<vmem>>) offsets(%dma_start3A_430 : memref<120xi32, #tpu.memory_space<vmem>>) semaphore(%arg11 : memref<!tpu.dma_semaphore, #tpu.memory_space<semaphore_mem>>)
        %dma_start3A_434 = arith.constant 0 : i32
        %dma_start3A_435 = arith.constant 0 : i32
        %dma_start3A_436 = arith.constant 120 : i32
        %dma_start3A_437 = arith.constant 0 : i32
        %dma_start3A_438 = tpu.memref_slice %arg8[%dma_start3A_435, %dma_start3A_436, %dma_start3A_437] : memref<4x200x64xf32, #tpu.memory_space<vmem>> -> memref<1x80x64xf32, #tpu.memory_space<vmem>>
        %dma_start3A_439 = tpu.memref_squeeze %dma_start3A_438 : memref<1x80x64xf32, #tpu.memory_space<vmem>> -> memref<80x64xf32, #tpu.memory_space<vmem>>
        %dma_start3A_440 = arith.constant 120 : i32
        %dma_start3A_441 = tpu.memref_slice %arg6[%dma_start3A_434, %dma_start3A_440] : memref<4x200xi32, #tpu.memory_space<vmem>> -> memref<1x80xi32, #tpu.memory_space<vmem>>
        %dma_start3A_442 = tpu.memref_squeeze %dma_start3A_441 : memref<1x80xi32, #tpu.memory_space<vmem>> -> memref<80xi32, #tpu.memory_space<vmem>>
        %dma_start3A_443 = arith.constant 0 : i32
        %dma_start3A_444 = arith.constant 0 : i32
        %dma_start3A_445 = tpu.memref_slice %arg3[%dma_start3A_443, %dma_start3A_444] : memref<1000000x64xf32, #tpu.memory_space<hbm>> -> memref<1000000x64xf32, #tpu.memory_space<hbm>>
        tpu.enqueue_indirect_dma source(%dma_start3A_445 : memref<1000000x64xf32, #tpu.memory_space<hbm>>) target(%dma_start3A_439 : memref<80x64xf32, #tpu.memory_space<vmem>>) offsets(%dma_start3A_442 : memref<80xi32, #tpu.memory_space<vmem>>) semaphore(%arg11 : memref<!tpu.dma_semaphore, #tpu.memory_space<semaphore_mem>>)
        %dma_start3A_446 = arith.constant 1 : i32
        %dma_start3A_447 = arith.constant 1 : i32
        %dma_start3A_448 = arith.constant 0 : i32
        %dma_start3A_449 = arith.constant 0 : i32
        %dma_start3A_450 = tpu.memref_slice %arg8[%dma_start3A_447, %dma_start3A_448, %dma_start3A_449] : memref<4x200x64xf32, #tpu.memory_space<vmem>> -> memref<1x120x64xf32, #tpu.memory_space<vmem>>
        %dma_start3A_451 = tpu.memref_squeeze %dma_start3A_450 : memref<1x120x64xf32, #tpu.memory_space<vmem>> -> memref<120x64xf32, #tpu.memory_space<vmem>>
        %dma_start3A_452 = arith.constant 0 : i32
        %dma_start3A_453 = tpu.memref_slice %arg6[%dma_start3A_446, %dma_start3A_452] : memref<4x200xi32, #tpu.memory_space<vmem>> -> memref<1x120xi32, #tpu.memory_space<vmem>>
        %dma_start3A_454 = tpu.memref_squeeze %dma_start3A_453 : memref<1x120xi32, #tpu.memory_space<vmem>> -> memref<120xi32, #tpu.memory_space<vmem>>
        %dma_start3A_455 = arith.constant 0 : i32
        %dma_start3A_456 = arith.constant 0 : i32
        %dma_start3A_457 = tpu.memref_slice %arg3[%dma_start3A_455, %dma_start3A_456] : memref<1000000x64xf32, #tpu.memory_space<hbm>> -> memref<1000000x64xf32, #tpu.memory_space<hbm>>
        tpu.enqueue_indirect_dma source(%dma_start3A_457 : memref<1000000x64xf32, #tpu.memory_space<hbm>>) target(%dma_start3A_451 : memref<120x64xf32, #tpu.memory_space<vmem>>) offsets(%dma_start3A_454 : memref<120xi32, #tpu.memory_space<vmem>>) semaphore(%arg11 : memref<!tpu.dma_semaphore, #tpu.memory_space<semaphore_mem>>)
        %dma_start3A_458 = arith.constant 1 : i32
        %dma_start3A_459 = arith.constant 1 : i32
        %dma_start3A_460 = arith.constant 120 : i32
        %dma_start3A_461 = arith.constant 0 : i32
        %dma_start3A_462 = tpu.memref_slice %arg8[%dma_start3A_459, %dma_start3A_460, %dma_start3A_461] : memref<4x200x64xf32, #tpu.memory_space<vmem>> -> memref<1x80x64xf32, #tpu.memory_space<vmem>>
        %dma_start3A_463 = tpu.memref_squeeze %dma_start3A_462 : memref<1x80x64xf32, #tpu.memory_space<vmem>> -> memref<80x64xf32, #tpu.memory_space<vmem>>
        %dma_start3A_464 = arith.constant 120 : i32
        %dma_start3A_465 = tpu.memref_slice %arg6[%dma_start3A_458, %dma_start3A_464] : memref<4x200xi32, #tpu.memory_space<vmem>> -> memref<1x80xi32, #tpu.memory_space<vmem>>
        %dma_start3A_466 = tpu.memref_squeeze %dma_start3A_465 : memref<1x80xi32, #tpu.memory_space<vmem>> -> memref<80xi32, #tpu.memory_space<vmem>>
        %dma_start3A_467 = arith.constant 0 : i32
        %dma_start3A_468 = arith.constant 0 : i32
        %dma_start3A_469 = tpu.memref_slice %arg3[%dma_start3A_467, %dma_start3A_468] : memref<1000000x64xf32, #tpu.memory_space<hbm>> -> memref<1000000x64xf32, #tpu.memory_space<hbm>>
        tpu.enqueue_indirect_dma source(%dma_start3A_469 : memref<1000000x64xf32, #tpu.memory_space<hbm>>) target(%dma_start3A_463 : memref<80x64xf32, #tpu.memory_space<vmem>>) offsets(%dma_start3A_466 : memref<80xi32, #tpu.memory_space<vmem>>) semaphore(%arg11 : memref<!tpu.dma_semaphore, #tpu.memory_space<semaphore_mem>>)
        %dma_start3A_470 = arith.constant 2 : i32
        %dma_start3A_471 = arith.constant 2 : i32
        %dma_start3A_472 = arith.constant 0 : i32
        %dma_start3A_473 = arith.constant 0 : i32
        %dma_start3A_474 = tpu.memref_slice %arg8[%dma_start3A_471, %dma_start3A_472, %dma_start3A_473] : memref<4x200x64xf32, #tpu.memory_space<vmem>> -> memref<1x120x64xf32, #tpu.memory_space<vmem>>
        %dma_start3A_475 = tpu.memref_squeeze %dma_start3A_474 : memref<1x120x64xf32, #tpu.memory_space<vmem>> -> memref<120x64xf32, #tpu.memory_space<vmem>>
        %dma_start3A_476 = arith.constant 0 : i32
        %dma_start3A_477 = tpu.memref_slice %arg6[%dma_start3A_470, %dma_start3A_476] : memref<4x200xi32, #tpu.memory_space<vmem>> -> memref<1x120xi32, #tpu.memory_space<vmem>>
        %dma_start3A_478 = tpu.memref_squeeze %dma_start3A_477 : memref<1x120xi32, #tpu.memory_space<vmem>> -> memref<120xi32, #tpu.memory_space<vmem>>
        %dma_start3A_479 = arith.constant 0 : i32
        %dma_start3A_480 = arith.constant 0 : i32
        %dma_start3A_481 = tpu.memref_slice %arg3[%dma_start3A_479, %dma_start3A_480] : memref<1000000x64xf32, #tpu.memory_space<hbm>> -> memref<1000000x64xf32, #tpu.memory_space<hbm>>
        tpu.enqueue_indirect_dma source(%dma_start3A_481 : memref<1000000x64xf32, #tpu.memory_space<hbm>>) target(%dma_start3A_475 : memref<120x64xf32, #tpu.memory_space<vmem>>) offsets(%dma_start3A_478 : memref<120xi32, #tpu.memory_space<vmem>>) semaphore(%arg11 : memref<!tpu.dma_semaphore, #tpu.memory_space<semaphore_mem>>)
        %dma_start3A_482 = arith.constant 2 : i32
        %dma_start3A_483 = arith.constant 2 : i32
        %dma_start3A_484 = arith.constant 120 : i32
        %dma_start3A_485 = arith.constant 0 : i32
        %dma_start3A_486 = tpu.memref_slice %arg8[%dma_start3A_483, %dma_start3A_484, %dma_start3A_485] : memref<4x200x64xf32, #tpu.memory_space<vmem>> -> memref<1x80x64xf32, #tpu.memory_space<vmem>>
        %dma_start3A_487 = tpu.memref_squeeze %dma_start3A_486 : memref<1x80x64xf32, #tpu.memory_space<vmem>> -> memref<80x64xf32, #tpu.memory_space<vmem>>
        %dma_start3A_488 = arith.constant 120 : i32
        %dma_start3A_489 = tpu.memref_slice %arg6[%dma_start3A_482, %dma_start3A_488] : memref<4x200xi32, #tpu.memory_space<vmem>> -> memref<1x80xi32, #tpu.memory_space<vmem>>
        %dma_start3A_490 = tpu.memref_squeeze %dma_start3A_489 : memref<1x80xi32, #tpu.memory_space<vmem>> -> memref<80xi32, #tpu.memory_space<vmem>>
        %dma_start3A_491 = arith.constant 0 : i32
        %dma_start3A_492 = arith.constant 0 : i32
        %dma_start3A_493 = tpu.memref_slice %arg3[%dma_start3A_491, %dma_start3A_492] : memref<1000000x64xf32, #tpu.memory_space<hbm>> -> memref<1000000x64xf32, #tpu.memory_space<hbm>>
        tpu.enqueue_indirect_dma source(%dma_start3A_493 : memref<1000000x64xf32, #tpu.memory_space<hbm>>) target(%dma_start3A_487 : memref<80x64xf32, #tpu.memory_space<vmem>>) offsets(%dma_start3A_490 : memref<80xi32, #tpu.memory_space<vmem>>) semaphore(%arg11 : memref<!tpu.dma_semaphore, #tpu.memory_space<semaphore_mem>>)
        %dma_start3A_494 = arith.constant 3 : i32
        %dma_start3A_495 = arith.constant 3 : i32
        %dma_start3A_496 = arith.constant 0 : i32
        %dma_start3A_497 = arith.constant 0 : i32
        %dma_start3A_498 = tpu.memref_slice %arg8[%dma_start3A_495, %dma_start3A_496, %dma_start3A_497] : memref<4x200x64xf32, #tpu.memory_space<vmem>> -> memref<1x120x64xf32, #tpu.memory_space<vmem>>
        %dma_start3A_499 = tpu.memref_squeeze %dma_start3A_498 : memref<1x120x64xf32, #tpu.memory_space<vmem>> -> memref<120x64xf32, #tpu.memory_space<vmem>>
        %dma_start3A_500 = arith.constant 0 : i32
        %dma_start3A_501 = tpu.memref_slice %arg6[%dma_start3A_494, %dma_start3A_500] : memref<4x200xi32, #tpu.memory_space<vmem>> -> memref<1x120xi32, #tpu.memory_space<vmem>>
        %dma_start3A_502 = tpu.memref_squeeze %dma_start3A_501 : memref<1x120xi32, #tpu.memory_space<vmem>> -> memref<120xi32, #tpu.memory_space<vmem>>
        %dma_start3A_503 = arith.constant 0 : i32
        %dma_start3A_504 = arith.constant 0 : i32
        %dma_start3A_505 = tpu.memref_slice %arg3[%dma_start3A_503, %dma_start3A_504] : memref<1000000x64xf32, #tpu.memory_space<hbm>> -> memref<1000000x64xf32, #tpu.memory_space<hbm>>
        tpu.enqueue_indirect_dma source(%dma_start3A_505 : memref<1000000x64xf32, #tpu.memory_space<hbm>>) target(%dma_start3A_499 : memref<120x64xf32, #tpu.memory_space<vmem>>) offsets(%dma_start3A_502 : memref<120xi32, #tpu.memory_space<vmem>>) semaphore(%arg11 : memref<!tpu.dma_semaphore, #tpu.memory_space<semaphore_mem>>)
        %dma_start3A_506 = arith.constant 3 : i32
        %dma_start3A_507 = arith.constant 3 : i32
        %dma_start3A_508 = arith.constant 120 : i32
        %dma_start3A_509 = arith.constant 0 : i32
        %dma_start3A_510 = tpu.memref_slice %arg8[%dma_start3A_507, %dma_start3A_508, %dma_start3A_509] : memref<4x200x64xf32, #tpu.memory_space<vmem>> -> memref<1x80x64xf32, #tpu.memory_space<vmem>>
        %dma_start3A_511 = tpu.memref_squeeze %dma_start3A_510 : memref<1x80x64xf32, #tpu.memory_space<vmem>> -> memref<80x64xf32, #tpu.memory_space<vmem>>
        %dma_start3A_512 = arith.constant 120 : i32
        %dma_start3A_513 = tpu.memref_slice %arg6[%dma_start3A_506, %dma_start3A_512] : memref<4x200xi32, #tpu.memory_space<vmem>> -> memref<1x80xi32, #tpu.memory_space<vmem>>
        %dma_start3A_514 = tpu.memref_squeeze %dma_start3A_513 : memref<1x80xi32, #tpu.memory_space<vmem>> -> memref<80xi32, #tpu.memory_space<vmem>>
        %dma_start3A_515 = arith.constant 0 : i32
        %dma_start3A_516 = arith.constant 0 : i32
        %dma_start3A_517 = tpu.memref_slice %arg3[%dma_start3A_515, %dma_start3A_516] : memref<1000000x64xf32, #tpu.memory_space<hbm>> -> memref<1000000x64xf32, #tpu.memory_space<hbm>>
        tpu.enqueue_indirect_dma source(%dma_start3A_517 : memref<1000000x64xf32, #tpu.memory_space<hbm>>) target(%dma_start3A_511 : memref<80x64xf32, #tpu.memory_space<vmem>>) offsets(%dma_start3A_514 : memref<80xi32, #tpu.memory_space<vmem>>) semaphore(%arg11 : memref<!tpu.dma_semaphore, #tpu.memory_space<semaphore_mem>>)
      } else {
      }
      %parallel_loop3A_397 = arith.constant 0 : i32
      %parallel_loop3A_398 = arith.constant 200 : i32
      %parallel_loop3A_399 = arith.constant 1 : i32
      scf.for %parallel_loop3A_411 = %parallel_loop3A_397 to %parallel_loop3A_398 step %parallel_loop3A_399  : i32 {
        %parallel_loop3A_412 = arith.index_cast %parallel_loop3A_411 : i32 to index
        %parallel_loop3A_413 = arith.constant 0 : index
        %parallel_loop3A_414 = tpu.vector_load %arg10[%parallel_loop3A_412, %parallel_loop3A_413] {strides = array<i32>} : memref<200x64xf32, #tpu.memory_space<vmem>>, vector<1x16xf32>,
        %parallel_loop3A_415 = vector.shape_cast %parallel_loop3A_414 : vector<1x16xf32> to vector<16xf32>
        %parallel_loop3A_416 = arith.constant 0 : i32
        %parallel_loop3A_417 = arith.index_cast %parallel_loop3A_416 : i32 to index
        %parallel_loop3A_418 = arith.index_cast %parallel_loop3A_411 : i32 to index
        %parallel_loop3A_419 = arith.constant 0 : index
        %parallel_loop3A_420 = tpu.vector_load %arg9[%parallel_loop3A_417, %parallel_loop3A_418, %parallel_loop3A_419] {strides = array<i32>} : memref<4x200x64xf32, #tpu.memory_space<vmem>>, vector<1x1x16xf32>,
        %parallel_loop3A_421 = vector.shape_cast %parallel_loop3A_420 : vector<1x1x16xf32> to vector<16xf32>
        %parallel_loop3A_422 = arith.addf %parallel_loop3A_421, %parallel_loop3A_415 : vector<16xf32>
        %parallel_loop3A_423 = arith.constant 0 : i32
        %parallel_loop3A_424 = arith.index_cast %parallel_loop3A_423 : i32 to index
        %parallel_loop3A_425 = arith.index_cast %parallel_loop3A_411 : i32 to index
        %parallel_loop3A_426 = arith.constant 0 : index
        %parallel_loop3A_427 = tpu.vector_load %arg9[%parallel_loop3A_424, %parallel_loop3A_425, %parallel_loop3A_426] {strides = array<i32>} : memref<4x200x64xf32, #tpu.memory_space<vmem>>, vector<1x1x16xf32>,
        %parallel_loop3A_428 = vector.shape_cast %parallel_loop3A_427 : vector<1x1x16xf32> to vector<16xf32>
        %parallel_loop3A_429 = vector.shape_cast %parallel_loop3A_422 : vector<16xf32> to vector<1x1x16xf32>
        tpu.vector_store %arg9[%parallel_loop3A_424, %parallel_loop3A_425, %parallel_loop3A_426], %parallel_loop3A_429 {strides = array<i32>} : memref<4x200x64xf32, #tpu.memory_space<vmem>>, vector<1x1x16xf32>,
        %parallel_loop3A_430 = arith.constant 1 : i32
        %parallel_loop3A_431 = arith.index_cast %parallel_loop3A_430 : i32 to index
        %parallel_loop3A_432 = arith.index_cast %parallel_loop3A_411 : i32 to index
        %parallel_loop3A_433 = arith.constant 0 : index
        %parallel_loop3A_434 = tpu.vector_load %arg9[%parallel_loop3A_431, %parallel_loop3A_432, %parallel_loop3A_433] {strides = array<i32>} : memref<4x200x64xf32, #tpu.memory_space<vmem>>, vector<1x1x16xf32>,
        %parallel_loop3A_435 = vector.shape_cast %parallel_loop3A_434 : vector<1x1x16xf32> to vector<16xf32>
        %parallel_loop3A_436 = arith.addf %parallel_loop3A_435, %parallel_loop3A_415 : vector<16xf32>
        %parallel_loop3A_437 = arith.constant 1 : i32
        %parallel_loop3A_438 = arith.index_cast %parallel_loop3A_437 : i32 to index
        %parallel_loop3A_439 = arith.index_cast %parallel_loop3A_411 : i32 to index
        %parallel_loop3A_440 = arith.constant 0 : index
        %parallel_loop3A_441 = tpu.vector_load %arg9[%parallel_loop3A_438, %parallel_loop3A_439, %parallel_loop3A_440] {strides = array<i32>} : memref<4x200x64xf32, #tpu.memory_space<vmem>>, vector<1x1x16xf32>,
        %parallel_loop3A_442 = vector.shape_cast %parallel_loop3A_441 : vector<1x1x16xf32> to vector<16xf32>
        %parallel_loop3A_443 = vector.shape_cast %parallel_loop3A_436 : vector<16xf32> to vector<1x1x16xf32>
        tpu.vector_store %arg9[%parallel_loop3A_438, %parallel_loop3A_439, %parallel_loop3A_440], %parallel_loop3A_443 {strides = array<i32>} : memref<4x200x64xf32, #tpu.memory_space<vmem>>, vector<1x1x16xf32>,
        %parallel_loop3A_444 = arith.constant 2 : i32
        %parallel_loop3A_445 = arith.index_cast %parallel_loop3A_444 : i32 to index
        %parallel_loop3A_446 = arith.index_cast %parallel_loop3A_411 : i32 to index
        %parallel_loop3A_447 = arith.constant 0 : index
        %parallel_loop3A_448 = tpu.vector_load %arg9[%parallel_loop3A_445, %parallel_loop3A_446, %parallel_loop3A_447] {strides = array<i32>} : memref<4x200x64xf32, #tpu.memory_space<vmem>>, vector<1x1x16xf32>,
        %parallel_loop3A_449 = vector.shape_cast %parallel_loop3A_448 : vector<1x1x16xf32> to vector<16xf32>
        %parallel_loop3A_450 = arith.addf %parallel_loop3A_449, %parallel_loop3A_415 : vector<16xf32>
        %parallel_loop3A_451 = arith.constant 2 : i32
        %parallel_loop3A_452 = arith.index_cast %parallel_loop3A_451 : i32 to index
        %parallel_loop3A_453 = arith.index_cast %parallel_loop3A_411 : i32 to index
        %parallel_loop3A_454 = arith.constant 0 : index
        %parallel_loop3A_455 = tpu.vector_load %arg9[%parallel_loop3A_452, %parallel_loop3A_453, %parallel_loop3A_454] {strides = array<i32>} : memref<4x200x64xf32, #tpu.memory_space<vmem>>, vector<1x1x16xf32>,
        %parallel_loop3A_456 = vector.shape_cast %parallel_loop3A_455 : vector<1x1x16xf32> to vector<16xf32>
        %parallel_loop3A_457 = vector.shape_cast %parallel_loop3A_450 : vector<16xf32> to vector<1x1x16xf32>
        tpu.vector_store %arg9[%parallel_loop3A_452, %parallel_loop3A_453, %parallel_loop3A_454], %parallel_loop3A_457 {strides = array<i32>} : memref<4x200x64xf32, #tpu.memory_space<vmem>>, vector<1x1x16xf32>,
        %parallel_loop3A_458 = arith.constant 3 : i32
        %parallel_loop3A_459 = arith.index_cast %parallel_loop3A_458 : i32 to index
        %parallel_loop3A_460 = arith.index_cast %parallel_loop3A_411 : i32 to index
        %parallel_loop3A_461 = arith.constant 0 : index
        %parallel_loop3A_462 = tpu.vector_load %arg9[%parallel_loop3A_459, %parallel_loop3A_460, %parallel_loop3A_461] {strides = array<i32>} : memref<4x200x64xf32, #tpu.memory_space<vmem>>, vector<1x1x16xf32>,
        %parallel_loop3A_463 = vector.shape_cast %parallel_loop3A_462 : vector<1x1x16xf32> to vector<16xf32>
        %parallel_loop3A_464 = arith.addf %parallel_loop3A_463, %parallel_loop3A_415 : vector<16xf32>
        %parallel_loop3A_465 = arith.constant 3 : i32
        %parallel_loop3A_466 = arith.index_cast %parallel_loop3A_465 : i32 to index
        %parallel_loop3A_467 = arith.index_cast %parallel_loop3A_411 : i32 to index
        %parallel_loop3A_468 = arith.constant 0 : index
        %parallel_loop3A_469 = tpu.vector_load %arg9[%parallel_loop3A_466, %parallel_loop3A_467, %parallel_loop3A_468] {strides = array<i32>} : memref<4x200x64xf32, #tpu.memory_space<vmem>>, vector<1x1x16xf32>,
        %parallel_loop3A_470 = vector.shape_cast %parallel_loop3A_469 : vector<1x1x16xf32> to vector<16xf32>
        %parallel_loop3A_471 = vector.shape_cast %parallel_loop3A_464 : vector<16xf32> to vector<1x1x16xf32>
        tpu.vector_store %arg9[%parallel_loop3A_466, %parallel_loop3A_467, %parallel_loop3A_468], %parallel_loop3A_471 {strides = array<i32>} : memref<4x200x64xf32, #tpu.memory_space<vmem>>, vector<1x1x16xf32>,
        %parallel_loop3A_472 = arith.index_cast %parallel_loop3A_411 : i32 to index
        %parallel_loop3A_473 = arith.constant 16 : index
        %parallel_loop3A_474 = tpu.vector_load %arg10[%parallel_loop3A_472, %parallel_loop3A_473] {strides = array<i32>} : memref<200x64xf32, #tpu.memory_space<vmem>>, vector<1x16xf32>,
        %parallel_loop3A_475 = vector.shape_cast %parallel_loop3A_474 : vector<1x16xf32> to vector<16xf32>
        %parallel_loop3A_476 = arith.constant 0 : i32
        %parallel_loop3A_477 = arith.index_cast %parallel_loop3A_476 : i32 to index
        %parallel_loop3A_478 = arith.index_cast %parallel_loop3A_411 : i32 to index
        %parallel_loop3A_479 = arith.constant 16 : index
        %parallel_loop3A_480 = tpu.vector_load %arg9[%parallel_loop3A_477, %parallel_loop3A_478, %parallel_loop3A_479] {strides = array<i32>} : memref<4x200x64xf32, #tpu.memory_space<vmem>>, vector<1x1x16xf32>,
        %parallel_loop3A_481 = vector.shape_cast %parallel_loop3A_480 : vector<1x1x16xf32> to vector<16xf32>
        %parallel_loop3A_482 = arith.addf %parallel_loop3A_481, %parallel_loop3A_475 : vector<16xf32>
        %parallel_loop3A_483 = arith.constant 0 : i32
        %parallel_loop3A_484 = arith.index_cast %parallel_loop3A_483 : i32 to index
        %parallel_loop3A_485 = arith.index_cast %parallel_loop3A_411 : i32 to index
        %parallel_loop3A_486 = arith.constant 16 : index
        %parallel_loop3A_487 = tpu.vector_load %arg9[%parallel_loop3A_484, %parallel_loop3A_485, %parallel_loop3A_486] {strides = array<i32>} : memref<4x200x64xf32, #tpu.memory_space<vmem>>, vector<1x1x16xf32>,
        %parallel_loop3A_488 = vector.shape_cast %parallel_loop3A_487 : vector<1x1x16xf32> to vector<16xf32>
        %parallel_loop3A_489 = vector.shape_cast %parallel_loop3A_482 : vector<16xf32> to vector<1x1x16xf32>
        tpu.vector_store %arg9[%parallel_loop3A_484, %parallel_loop3A_485, %parallel_loop3A_486], %parallel_loop3A_489 {strides = array<i32>} : memref<4x200x64xf32, #tpu.memory_space<vmem>>, vector<1x1x16xf32>,
        %parallel_loop3A_490 = arith.constant 1 : i32
        %parallel_loop3A_491 = arith.index_cast %parallel_loop3A_490 : i32 to index
        %parallel_loop3A_492 = arith.index_cast %parallel_loop3A_411 : i32 to index
        %parallel_loop3A_493 = arith.constant 16 : index
        %parallel_loop3A_494 = tpu.vector_load %arg9[%parallel_loop3A_491, %parallel_loop3A_492, %parallel_loop3A_493] {strides = array<i32>} : memref<4x200x64xf32, #tpu.memory_space<vmem>>, vector<1x1x16xf32>,
        %parallel_loop3A_495 = vector.shape_cast %parallel_loop3A_494 : vector<1x1x16xf32> to vector<16xf32>
        %parallel_loop3A_496 = arith.addf %parallel_loop3A_495, %parallel_loop3A_475 : vector<16xf32>
        %parallel_loop3A_497 = arith.constant 1 : i32
        %parallel_loop3A_498 = arith.index_cast %parallel_loop3A_497 : i32 to index
        %parallel_loop3A_499 = arith.index_cast %parallel_loop3A_411 : i32 to index
        %parallel_loop3A_500 = arith.constant 16 : index
        %parallel_loop3A_501 = tpu.vector_load %arg9[%parallel_loop3A_498, %parallel_loop3A_499, %parallel_loop3A_500] {strides = array<i32>} : memref<4x200x64xf32, #tpu.memory_space<vmem>>, vector<1x1x16xf32>,
        %parallel_loop3A_502 = vector.shape_cast %parallel_loop3A_501 : vector<1x1x16xf32> to vector<16xf32>
        %parallel_loop3A_503 = vector.shape_cast %parallel_loop3A_496 : vector<16xf32> to vector<1x1x16xf32>
        tpu.vector_store %arg9[%parallel_loop3A_498, %parallel_loop3A_499, %parallel_loop3A_500], %parallel_loop3A_503 {strides = array<i32>} : memref<4x200x64xf32, #tpu.memory_space<vmem>>, vector<1x1x16xf32>,
        %parallel_loop3A_504 = arith.constant 2 : i32
        %parallel_loop3A_505 = arith.index_cast %parallel_loop3A_504 : i32 to index
        %parallel_loop3A_506 = arith.index_cast %parallel_loop3A_411 : i32 to index
        %parallel_loop3A_507 = arith.constant 16 : index
        %parallel_loop3A_508 = tpu.vector_load %arg9[%parallel_loop3A_505, %parallel_loop3A_506, %parallel_loop3A_507] {strides = array<i32>} : memref<4x200x64xf32, #tpu.memory_space<vmem>>, vector<1x1x16xf32>,
        %parallel_loop3A_509 = vector.shape_cast %parallel_loop3A_508 : vector<1x1x16xf32> to vector<16xf32>
        %parallel_loop3A_510 = arith.addf %parallel_loop3A_509, %parallel_loop3A_475 : vector<16xf32>
        %parallel_loop3A_511 = arith.constant 2 : i32
        %parallel_loop3A_512 = arith.index_cast %parallel_loop3A_511 : i32 to index
        %parallel_loop3A_513 = arith.index_cast %parallel_loop3A_411 : i32 to index
        %parallel_loop3A_514 = arith.constant 16 : index
        %parallel_loop3A_515 = tpu.vector_load %arg9[%parallel_loop3A_512, %parallel_loop3A_513, %parallel_loop3A_514] {strides = array<i32>} : memref<4x200x64xf32, #tpu.memory_space<vmem>>, vector<1x1x16xf32>,
        %parallel_loop3A_516 = vector.shape_cast %parallel_loop3A_515 : vector<1x1x16xf32> to vector<16xf32>
        %parallel_loop3A_517 = vector.shape_cast %parallel_loop3A_510 : vector<16xf32> to vector<1x1x16xf32>
        tpu.vector_store %arg9[%parallel_loop3A_512, %parallel_loop3A_513, %parallel_loop3A_514], %parallel_loop3A_517 {strides = array<i32>} : memref<4x200x64xf32, #tpu.memory_space<vmem>>, vector<1x1x16xf32>,
        %parallel_loop3A_518 = arith.constant 3 : i32
        %parallel_loop3A_519 = arith.index_cast %parallel_loop3A_518 : i32 to index
        %parallel_loop3A_520 = arith.index_cast %parallel_loop3A_411 : i32 to index
        %parallel_loop3A_521 = arith.constant 16 : index
        %parallel_loop3A_522 = tpu.vector_load %arg9[%parallel_loop3A_519, %parallel_loop3A_520, %parallel_loop3A_521] {strides = array<i32>} : memref<4x200x64xf32, #tpu.memory_space<vmem>>, vector<1x1x16xf32>,
        %parallel_loop3A_523 = vector.shape_cast %parallel_loop3A_522 : vector<1x1x16xf32> to vector<16xf32>
        %parallel_loop3A_524 = arith.addf %parallel_loop3A_523, %parallel_loop3A_475 : vector<16xf32>
        %parallel_loop3A_525 = arith.constant 3 : i32
        %parallel_loop3A_526 = arith.index_cast %parallel_loop3A_525 : i32 to index
        %parallel_loop3A_527 = arith.index_cast %parallel_loop3A_411 : i32 to index
        %parallel_loop3A_528 = arith.constant 16 : index
        %parallel_loop3A_529 = tpu.vector_load %arg9[%parallel_loop3A_526, %parallel_loop3A_527, %parallel_loop3A_528] {strides = array<i32>} : memref<4x200x64xf32, #tpu.memory_space<vmem>>, vector<1x1x16xf32>,
        %parallel_loop3A_530 = vector.shape_cast %parallel_loop3A_529 : vector<1x1x16xf32> to vector<16xf32>
        %parallel_loop3A_531 = vector.shape_cast %parallel_loop3A_524 : vector<16xf32> to vector<1x1x16xf32>
        tpu.vector_store %arg9[%parallel_loop3A_526, %parallel_loop3A_527, %parallel_loop3A_528], %parallel_loop3A_531 {strides = array<i32>} : memref<4x200x64xf32, #tpu.memory_space<vmem>>, vector<1x1x16xf32>,
        %parallel_loop3A_532 = arith.index_cast %parallel_loop3A_411 : i32 to index
        %parallel_loop3A_533 = arith.constant 32 : index
        %parallel_loop3A_534 = tpu.vector_load %arg10[%parallel_loop3A_532, %parallel_loop3A_533] {strides = array<i32>} : memref<200x64xf32, #tpu.memory_space<vmem>>, vector<1x16xf32>,
        %parallel_loop3A_535 = vector.shape_cast %parallel_loop3A_534 : vector<1x16xf32> to vector<16xf32>
        %parallel_loop3A_536 = arith.constant 0 : i32
        %parallel_loop3A_537 = arith.index_cast %parallel_loop3A_536 : i32 to index
        %parallel_loop3A_538 = arith.index_cast %parallel_loop3A_411 : i32 to index
        %parallel_loop3A_539 = arith.constant 32 : index
        %parallel_loop3A_540 = tpu.vector_load %arg9[%parallel_loop3A_537, %parallel_loop3A_538, %parallel_loop3A_539] {strides = array<i32>} : memref<4x200x64xf32, #tpu.memory_space<vmem>>, vector<1x1x16xf32>,
        %parallel_loop3A_541 = vector.shape_cast %parallel_loop3A_540 : vector<1x1x16xf32> to vector<16xf32>
        %parallel_loop3A_542 = arith.addf %parallel_loop3A_541, %parallel_loop3A_535 : vector<16xf32>
        %parallel_loop3A_543 = arith.constant 0 : i32
        %parallel_loop3A_544 = arith.index_cast %parallel_loop3A_543 : i32 to index
        %parallel_loop3A_545 = arith.index_cast %parallel_loop3A_411 : i32 to index
        %parallel_loop3A_546 = arith.constant 32 : index
        %parallel_loop3A_547 = tpu.vector_load %arg9[%parallel_loop3A_544, %parallel_loop3A_545, %parallel_loop3A_546] {strides = array<i32>} : memref<4x200x64xf32, #tpu.memory_space<vmem>>, vector<1x1x16xf32>,
        %parallel_loop3A_548 = vector.shape_cast %parallel_loop3A_547 : vector<1x1x16xf32> to vector<16xf32>
        %parallel_loop3A_549 = vector.shape_cast %parallel_loop3A_542 : vector<16xf32> to vector<1x1x16xf32>
        tpu.vector_store %arg9[%parallel_loop3A_544, %parallel_loop3A_545, %parallel_loop3A_546], %parallel_loop3A_549 {strides = array<i32>} : memref<4x200x64xf32, #tpu.memory_space<vmem>>, vector<1x1x16xf32>,
        %parallel_loop3A_550 = arith.constant 1 : i32
        %parallel_loop3A_551 = arith.index_cast %parallel_loop3A_550 : i32 to index
        %parallel_loop3A_552 = arith.index_cast %parallel_loop3A_411 : i32 to index
        %parallel_loop3A_553 = arith.constant 32 : index
        %parallel_loop3A_554 = tpu.vector_load %arg9[%parallel_loop3A_551, %parallel_loop3A_552, %parallel_loop3A_553] {strides = array<i32>} : memref<4x200x64xf32, #tpu.memory_space<vmem>>, vector<1x1x16xf32>,
        %parallel_loop3A_555 = vector.shape_cast %parallel_loop3A_554 : vector<1x1x16xf32> to vector<16xf32>
        %parallel_loop3A_556 = arith.addf %parallel_loop3A_555, %parallel_loop3A_535 : vector<16xf32>
        %parallel_loop3A_557 = arith.constant 1 : i32
        %parallel_loop3A_558 = arith.index_cast %parallel_loop3A_557 : i32 to index
        %parallel_loop3A_559 = arith.index_cast %parallel_loop3A_411 : i32 to index
        %parallel_loop3A_560 = arith.constant 32 : index
        %parallel_loop3A_561 = tpu.vector_load %arg9[%parallel_loop3A_558, %parallel_loop3A_559, %parallel_loop3A_560] {strides = array<i32>} : memref<4x200x64xf32, #tpu.memory_space<vmem>>, vector<1x1x16xf32>,
        %parallel_loop3A_562 = vector.shape_cast %parallel_loop3A_561 : vector<1x1x16xf32> to vector<16xf32>
        %parallel_loop3A_563 = vector.shape_cast %parallel_loop3A_556 : vector<16xf32> to vector<1x1x16xf32>
        tpu.vector_store %arg9[%parallel_loop3A_558, %parallel_loop3A_559, %parallel_loop3A_560], %parallel_loop3A_563 {strides = array<i32>} : memref<4x200x64xf32, #tpu.memory_space<vmem>>, vector<1x1x16xf32>,
        %parallel_loop3A_564 = arith.constant 2 : i32
        %parallel_loop3A_565 = arith.index_cast %parallel_loop3A_564 : i32 to index
        %parallel_loop3A_566 = arith.index_cast %parallel_loop3A_411 : i32 to index
        %parallel_loop3A_567 = arith.constant 32 : index
        %parallel_loop3A_568 = tpu.vector_load %arg9[%parallel_loop3A_565, %parallel_loop3A_566, %parallel_loop3A_567] {strides = array<i32>} : memref<4x200x64xf32, #tpu.memory_space<vmem>>, vector<1x1x16xf32>,
        %parallel_loop3A_569 = vector.shape_cast %parallel_loop3A_568 : vector<1x1x16xf32> to vector<16xf32>
        %parallel_loop3A_570 = arith.addf %parallel_loop3A_569, %parallel_loop3A_535 : vector<16xf32>
        %parallel_loop3A_571 = arith.constant 2 : i32
        %parallel_loop3A_572 = arith.index_cast %parallel_loop3A_571 : i32 to index
        %parallel_loop3A_573 = arith.index_cast %parallel_loop3A_411 : i32 to index
        %parallel_loop3A_574 = arith.constant 32 : index
        %parallel_loop3A_575 = tpu.vector_load %arg9[%parallel_loop3A_572, %parallel_loop3A_573, %parallel_loop3A_574] {strides = array<i32>} : memref<4x200x64xf32, #tpu.memory_space<vmem>>, vector<1x1x16xf32>,
        %parallel_loop3A_576 = vector.shape_cast %parallel_loop3A_575 : vector<1x1x16xf32> to vector<16xf32>
        %parallel_loop3A_577 = vector.shape_cast %parallel_loop3A_570 : vector<16xf32> to vector<1x1x16xf32>
        tpu.vector_store %arg9[%parallel_loop3A_572, %parallel_loop3A_573, %parallel_loop3A_574], %parallel_loop3A_577 {strides = array<i32>} : memref<4x200x64xf32, #tpu.memory_space<vmem>>, vector<1x1x16xf32>,
        %parallel_loop3A_578 = arith.constant 3 : i32
        %parallel_loop3A_579 = arith.index_cast %parallel_loop3A_578 : i32 to index
        %parallel_loop3A_580 = arith.index_cast %parallel_loop3A_411 : i32 to index
        %parallel_loop3A_581 = arith.constant 32 : index
        %parallel_loop3A_582 = tpu.vector_load %arg9[%parallel_loop3A_579, %parallel_loop3A_580, %parallel_loop3A_581] {strides = array<i32>} : memref<4x200x64xf32, #tpu.memory_space<vmem>>, vector<1x1x16xf32>,
        %parallel_loop3A_583 = vector.shape_cast %parallel_loop3A_582 : vector<1x1x16xf32> to vector<16xf32>
        %parallel_loop3A_584 = arith.addf %parallel_loop3A_583, %parallel_loop3A_535 : vector<16xf32>
        %parallel_loop3A_585 = arith.constant 3 : i32
        %parallel_loop3A_586 = arith.index_cast %parallel_loop3A_585 : i32 to index
        %parallel_loop3A_587 = arith.index_cast %parallel_loop3A_411 : i32 to index
        %parallel_loop3A_588 = arith.constant 32 : index
        %parallel_loop3A_589 = tpu.vector_load %arg9[%parallel_loop3A_586, %parallel_loop3A_587, %parallel_loop3A_588] {strides = array<i32>} : memref<4x200x64xf32, #tpu.memory_space<vmem>>, vector<1x1x16xf32>,
        %parallel_loop3A_590 = vector.shape_cast %parallel_loop3A_589 : vector<1x1x16xf32> to vector<16xf32>
        %parallel_loop3A_591 = vector.shape_cast %parallel_loop3A_584 : vector<16xf32> to vector<1x1x16xf32>
        tpu.vector_store %arg9[%parallel_loop3A_586, %parallel_loop3A_587, %parallel_loop3A_588], %parallel_loop3A_591 {strides = array<i32>} : memref<4x200x64xf32, #tpu.memory_space<vmem>>, vector<1x1x16xf32>,
        %parallel_loop3A_592 = arith.index_cast %parallel_loop3A_411 : i32 to index
        %parallel_loop3A_593 = arith.constant 48 : index
        %parallel_loop3A_594 = tpu.vector_load %arg10[%parallel_loop3A_592, %parallel_loop3A_593] {strides = array<i32>} : memref<200x64xf32, #tpu.memory_space<vmem>>, vector<1x16xf32>,
        %parallel_loop3A_595 = vector.shape_cast %parallel_loop3A_594 : vector<1x16xf32> to vector<16xf32>
        %parallel_loop3A_596 = arith.constant 0 : i32
        %parallel_loop3A_597 = arith.index_cast %parallel_loop3A_596 : i32 to index
        %parallel_loop3A_598 = arith.index_cast %parallel_loop3A_411 : i32 to index
        %parallel_loop3A_599 = arith.constant 48 : index
        %parallel_loop3A_600 = tpu.vector_load %arg9[%parallel_loop3A_597, %parallel_loop3A_598, %parallel_loop3A_599] {strides = array<i32>} : memref<4x200x64xf32, #tpu.memory_space<vmem>>, vector<1x1x16xf32>,
        %parallel_loop3A_601 = vector.shape_cast %parallel_loop3A_600 : vector<1x1x16xf32> to vector<16xf32>
        %parallel_loop3A_602 = arith.addf %parallel_loop3A_601, %parallel_loop3A_595 : vector<16xf32>
        %parallel_loop3A_603 = arith.constant 0 : i32
        %parallel_loop3A_604 = arith.index_cast %parallel_loop3A_603 : i32 to index
        %parallel_loop3A_605 = arith.index_cast %parallel_loop3A_411 : i32 to index
        %parallel_loop3A_606 = arith.constant 48 : index
        %parallel_loop3A_607 = tpu.vector_load %arg9[%parallel_loop3A_604, %parallel_loop3A_605, %parallel_loop3A_606] {strides = array<i32>} : memref<4x200x64xf32, #tpu.memory_space<vmem>>, vector<1x1x16xf32>,
        %parallel_loop3A_608 = vector.shape_cast %parallel_loop3A_607 : vector<1x1x16xf32> to vector<16xf32>
        %parallel_loop3A_609 = vector.shape_cast %parallel_loop3A_602 : vector<16xf32> to vector<1x1x16xf32>
        tpu.vector_store %arg9[%parallel_loop3A_604, %parallel_loop3A_605, %parallel_loop3A_606], %parallel_loop3A_609 {strides = array<i32>} : memref<4x200x64xf32, #tpu.memory_space<vmem>>, vector<1x1x16xf32>,
        %parallel_loop3A_610 = arith.constant 1 : i32
        %parallel_loop3A_611 = arith.index_cast %parallel_loop3A_610 : i32 to index
        %parallel_loop3A_612 = arith.index_cast %parallel_loop3A_411 : i32 to index
        %parallel_loop3A_613 = arith.constant 48 : index
        %parallel_loop3A_614 = tpu.vector_load %arg9[%parallel_loop3A_611, %parallel_loop3A_612, %parallel_loop3A_613] {strides = array<i32>} : memref<4x200x64xf32, #tpu.memory_space<vmem>>, vector<1x1x16xf32>,
        %parallel_loop3A_615 = vector.shape_cast %parallel_loop3A_614 : vector<1x1x16xf32> to vector<16xf32>
        %parallel_loop3A_616 = arith.addf %parallel_loop3A_615, %parallel_loop3A_595 : vector<16xf32>
        %parallel_loop3A_617 = arith.constant 1 : i32
        %parallel_loop3A_618 = arith.index_cast %parallel_loop3A_617 : i32 to index
        %parallel_loop3A_619 = arith.index_cast %parallel_loop3A_411 : i32 to index
        %parallel_loop3A_620 = arith.constant 48 : index
        %parallel_loop3A_621 = tpu.vector_load %arg9[%parallel_loop3A_618, %parallel_loop3A_619, %parallel_loop3A_620] {strides = array<i32>} : memref<4x200x64xf32, #tpu.memory_space<vmem>>, vector<1x1x16xf32>,
        %parallel_loop3A_622 = vector.shape_cast %parallel_loop3A_621 : vector<1x1x16xf32> to vector<16xf32>
        %parallel_loop3A_623 = vector.shape_cast %parallel_loop3A_616 : vector<16xf32> to vector<1x1x16xf32>
        tpu.vector_store %arg9[%parallel_loop3A_618, %parallel_loop3A_619, %parallel_loop3A_620], %parallel_loop3A_623 {strides = array<i32>} : memref<4x200x64xf32, #tpu.memory_space<vmem>>, vector<1x1x16xf32>,
        %parallel_loop3A_624 = arith.constant 2 : i32
        %parallel_loop3A_625 = arith.index_cast %parallel_loop3A_624 : i32 to index
        %parallel_loop3A_626 = arith.index_cast %parallel_loop3A_411 : i32 to index
        %parallel_loop3A_627 = arith.constant 48 : index
        %parallel_loop3A_628 = tpu.vector_load %arg9[%parallel_loop3A_625, %parallel_loop3A_626, %parallel_loop3A_627] {strides = array<i32>} : memref<4x200x64xf32, #tpu.memory_space<vmem>>, vector<1x1x16xf32>,
        %parallel_loop3A_629 = vector.shape_cast %parallel_loop3A_628 : vector<1x1x16xf32> to vector<16xf32>
        %parallel_loop3A_630 = arith.addf %parallel_loop3A_629, %parallel_loop3A_595 : vector<16xf32>
        %parallel_loop3A_631 = arith.constant 2 : i32
        %parallel_loop3A_632 = arith.index_cast %parallel_loop3A_631 : i32 to index
        %parallel_loop3A_633 = arith.index_cast %parallel_loop3A_411 : i32 to index
        %parallel_loop3A_634 = arith.constant 48 : index
        %parallel_loop3A_635 = tpu.vector_load %arg9[%parallel_loop3A_632, %parallel_loop3A_633, %parallel_loop3A_634] {strides = array<i32>} : memref<4x200x64xf32, #tpu.memory_space<vmem>>, vector<1x1x16xf32>,
        %parallel_loop3A_636 = vector.shape_cast %parallel_loop3A_635 : vector<1x1x16xf32> to vector<16xf32>
        %parallel_loop3A_637 = vector.shape_cast %parallel_loop3A_630 : vector<16xf32> to vector<1x1x16xf32>
        tpu.vector_store %arg9[%parallel_loop3A_632, %parallel_loop3A_633, %parallel_loop3A_634], %parallel_loop3A_637 {strides = array<i32>} : memref<4x200x64xf32, #tpu.memory_space<vmem>>, vector<1x1x16xf32>,
        %parallel_loop3A_638 = arith.constant 3 : i32
        %parallel_loop3A_639 = arith.index_cast %parallel_loop3A_638 : i32 to index
        %parallel_loop3A_640 = arith.index_cast %parallel_loop3A_411 : i32 to index
        %parallel_loop3A_641 = arith.constant 48 : index
        %parallel_loop3A_642 = tpu.vector_load %arg9[%parallel_loop3A_639, %parallel_loop3A_640, %parallel_loop3A_641] {strides = array<i32>} : memref<4x200x64xf32, #tpu.memory_space<vmem>>, vector<1x1x16xf32>,
        %parallel_loop3A_643 = vector.shape_cast %parallel_loop3A_642 : vector<1x1x16xf32> to vector<16xf32>
        %parallel_loop3A_644 = arith.addf %parallel_loop3A_643, %parallel_loop3A_595 : vector<16xf32>
        %parallel_loop3A_645 = arith.constant 3 : i32
        %parallel_loop3A_646 = arith.index_cast %parallel_loop3A_645 : i32 to index
        %parallel_loop3A_647 = arith.index_cast %parallel_loop3A_411 : i32 to index
        %parallel_loop3A_648 = arith.constant 48 : index
        %parallel_loop3A_649 = tpu.vector_load %arg9[%parallel_loop3A_646, %parallel_loop3A_647, %parallel_loop3A_648] {strides = array<i32>} : memref<4x200x64xf32, #tpu.memory_space<vmem>>, vector<1x1x16xf32>,
        %parallel_loop3A_650 = vector.shape_cast %parallel_loop3A_649 : vector<1x1x16xf32> to vector<16xf32>
        %parallel_loop3A_651 = vector.shape_cast %parallel_loop3A_644 : vector<16xf32> to vector<1x1x16xf32>
        tpu.vector_store %arg9[%parallel_loop3A_646, %parallel_loop3A_647, %parallel_loop3A_648], %parallel_loop3A_651 {strides = array<i32>} : memref<4x200x64xf32, #tpu.memory_space<vmem>>, vector<1x1x16xf32>,
      } {sc.loop_unroll_factor = 1 : i64, sc.parallel_access}
      %mul3A_400 = arith.constant 128 : i32
      %mul3A_401 = arith.muli %add3A, %mul3A_400 : i32
      %mul3A_402 = arith.constant 4 : i32
      %mul3A_403 = arith.muli %add3A_269, %mul3A_402 : i32
      %add3A_404 = arith.addi %mul3A_401, %mul3A_403 : i32
      %dma_start3A_405 = arith.constant 0 : i32
      %dma_start3A_406 = arith.constant 0 : i32
      %dma_start3A_407 = tpu.memref_slice %arg5[%add3A_404, %dma_start3A_405, %dma_start3A_406] : memref<4096x200x64xf32, #tpu.memory_space<hbm>> -> memref<4x200x64xf32, #tpu.memory_space<hbm>>
      %dma_start3A_408 = arith.constant 0 : i32
      %dma_start3A_409 = arith.constant 0 : i32
      %dma_start3A_410 = tpu.memref_slice %arg5[%add3A_404, %dma_start3A_408, %dma_start3A_409] : memref<4096x200x64xf32, #tpu.memory_space<hbm>> -> memref<4x200x64xf32, #tpu.memory_space<hbm>>
      tpu.enqueue_dma source(%arg9 : memref<4x200x64xf32, #tpu.memory_space<vmem>>) target(%dma_start3A_410 : memref<4x200x64xf32, #tpu.memory_space<hbm>>) target_semaphore(%arg14 : memref<!tpu.dma_semaphore, #tpu.memory_space<semaphore_mem>>)
    }
    %scan3A_104 = arith.constant 16 : i32
    %mul3A_105 = arith.constant 128 : i32
    %mul3A_106 = arith.muli %add3A, %mul3A_105 : i32
    %add3A_107 = arith.constant 120 : i32
    %add3A_108 = arith.addi %mul3A_106, %add3A_107 : i32
    %dma_wait3A = arith.constant 0 : i32
    %dma_wait3A_109 = arith.constant 0 : i32
    %dma_wait3A_110 = tpu.memref_slice %arg5[%add3A_108, %dma_wait3A, %dma_wait3A_109] : memref<4096x200x64xf32, #tpu.memory_space<hbm>> -> memref<4x200x64xf32, #tpu.memory_space<hbm>>
    %dma_wait3A_111 = arith.constant 0 : i32
    %dma_wait3A_112 = arith.constant 0 : i32
    %dma_wait3A_113 = tpu.memref_slice %arg5[%add3A_108, %dma_wait3A_111, %dma_wait3A_112] : memref<4096x200x64xf32, #tpu.memory_space<hbm>> -> memref<4x200x64xf32, #tpu.memory_space<hbm>>
    tpu.wait_dma2 semaphore(%arg13 : memref<!tpu.dma_semaphore, #tpu.memory_space<semaphore_mem>>) src(%arg8 : memref<4x200x64xf32, #tpu.memory_space<vmem>>) dst(%dma_wait3A_113 : memref<4x200x64xf32, #tpu.memory_space<hbm>>)
    %mul3A_114 = arith.constant 128 : i32
    %mul3A_115 = arith.muli %add3A, %mul3A_114 : i32
    %add3A_116 = arith.constant 124 : i32
    %add3A_117 = arith.addi %mul3A_115, %add3A_116 : i32
    %dma_wait3A_118 = arith.constant 0 : i32
    %dma_wait3A_119 = arith.constant 0 : i32
    %dma_wait3A_120 = tpu.memref_slice %arg5[%add3A_117, %dma_wait3A_118, %dma_wait3A_119] : memref<4096x200x64xf32, #tpu.memory_space<hbm>> -> memref<4x200x64xf32, #tpu.memory_space<hbm>>
    %dma_wait3A_121 = arith.constant 0 : i32
    %dma_wait3A_122 = arith.constant 0 : i32
    %dma_wait3A_123 = tpu.memref_slice %arg5[%add3A_117, %dma_wait3A_121, %dma_wait3A_122] : memref<4096x200x64xf32, #tpu.memory_space<hbm>> -> memref<4x200x64xf32, #tpu.memory_space<hbm>>
    tpu.wait_dma2 semaphore(%arg14 : memref<!tpu.dma_semaphore, #tpu.memory_space<semaphore_mem>>) src(%arg9 : memref<4x200x64xf32, #tpu.memory_space<vmem>>) dst(%dma_wait3A_123 : memref<4x200x64xf32, #tpu.memory_space<hbm>>)
    return
  }
}

</mosaic_0001>

<sc_bundles>
// kernel: kernel.3.cloned.1.call-start
scs
__scs_entry_jumppad:
0x0: {  	(pc) =	sbr.rel $0x88, $3  }
0x1: {  	(tag) =	ssettag $0x0;
	lr =	simm.s32 $0x1  }
0x2: {  	[smem:$0x3F9E] =	sst lr;
	_ =	strace $0xD0000000  }
0x3: {  	_ = 	snop  }
0x4: {  	_ = 	snop  }
0x5: {  	_ = 	snop  }
0x6: {  	_ = 	snop  }
0x7: {  	_ = 	snop  }
__scs_overlays_trampoline_lowered:
0x8: {  	[smem:$0x3FAD] =	sst s0  }
0x9: {  	[smem:$0x3FAE] =	sst s1  }
0xa: {  	[smem:$0x3FAF] =	sst s2  }
0xb: {  	[smem:$0x3FB0] =	sst s3  }
0xc: {  	[smem:$0x3FB1] =	sst s4  }
0xd: {  	[smem:$0x3FB2] =	sst s5  }
0xe: {  	[smem:$0x3FB3] =	sst s6  }
0xf: {  	[smem:$0x3FB4] =	sst s7  }
0x10: {  	[smem:$0x3FB5] =	sst s8  }
0x11: {  	[smem:$0x3FB6] =	sst s9;
	s0 =	simm.s32 @!p0 $0x0  }
0x12: {  	s1 =	sld [smem:$0x3F9C];
	s0 =	simm.s32 @p0 $0x1  }
0x13: {  	[smem:$0x3FB7] =	sst s0;
	s0 =	simm.s32 @!p1 $0x0  }
0x14: {  	s2 =	sld [smem:$0x3F9B];
	s0 =	simm.s32 @p1 $0x1  }
0x15: {  	[smem:$0x3FB8] =	sst s0;
	s0 =	simm.s32 @!p2 $0x0  }
0x16: {  	s3 =	sld [smem:$0x3FDB];
	s0 =	simm.s32 @p2 $0x1  }
0x17: {  	s4 =	simm.s32 $0x1BF5;
	[smem:$0x3FBA] =	sst s0  }
0x18: {  	s0 =	sld [smem:$0x3F9D];
	_ =	swait.ge [sflag:s4], $0x0  }
0x19: {  	s7 =	sld [smem:$0x3F9E]  }
0x1a: {  	s8 =	sadd.s32 $0xFFFFE003, lr  }
0x1b: {  	s9 =	sadd.s32 $0xFFFFFEF7, lr;
	s5 =	simm.s32 $0xFFFFFFFF;
	p2 =	slt.u32 s8, $0xFFFFF086  }
0x1c: {  	p1 =	slt.u32 s9, $0xF7A;
	s5 =	simm.s32 @!p2 $0x0  }
0x1d: {  	s5 =	simm.s32 @p1 $0x1;
	p0 =	seq.s32 s7, s2  }
0x1e: {  	s7 =	smul.u32 @!p0 $0xF7A, s2;
	p2 =	seq.s32 @!p0 s5, $0x0  }
0x1f: {  	s9 =	smul.u32 $0xF7A, s1;
	s8 =	simm.s32 @!p0 $0x1BF5;
	p2 =	por !p2, p0  }
0x20: {  	[sflag:s8] =	ssyncset.s32 @!p0 $0xFFFFF086;
	s6 =	sadd.s32 @!p0 s3, s7;
	s7 =	simm.s32 @!p0 $0x108  }
0x21: {  	s3 =	sadd.s32 s3, s9;
	s6 =	sadd.s32 @!p0 $0x88, s6;
	s7 =	simm.s32 @p2 $0x1082  }
0x22: {  	[simem:s7], [sflag:s8] =	dma.local @!p0 [hbm:s6], $0xF7A  }
0x23: {  	s9 =	sor.u32 $0xD0000000, s2;
	s6 =	simm.s32 $0x108;
	_ =	swait.ge @!p0 [sflag:s8], $0x0  }
0x24: {  	s3 =	sadd.s32 $0x88, s3;
	s6 =	simm.s32 @!p1 $0x1082;
	[sflag:s4] =	ssyncset.s32 $0xFFFFF086  }
0x25: {  	[simem:s6], [sflag:s4] =	dma.local [hbm:s3], $0xF7A  }
0x26: {  	[smem:$0x3F9E] =	sst s1;
	(tag) =	ssettag s2;
	_ =	strace s9  }
0x27: {  	s1 =	sld [smem:$0x3FAE]  }
0x28: {  	s2 =	sld [smem:$0x3FAF]  }
0x29: {  	s4 =	sld [smem:$0x3FB1]  }
0x2a: {  	p0 =	seq.s32 s5, $0x0;
	s5 =	sld [smem:$0x3FB2]  }
0x2b: {  	s6 =	sld [smem:$0x3FB3]  }
0x2c: {  	s7 =	sld [smem:$0x3FB4]  }
0x2d: {  	s3 =	simm.s32 $0x108;
	s8 =	sld [smem:$0x3FB5]  }
0x2e: {  	s3 =	simm.s32 @!p0 $0x1082;
	s9 =	sld [smem:$0x3FB6]  }
0x2f: {  	lr =	sadd.s32 s0, s3;
	s0 =	sld [smem:$0x3FAD]  }
0x30: {  	s3 =	sld [smem:$0x3FB0]  }
0x31: {  	[smem:$0x3FB9] =	sst s10  }
0x32: {  	s10 =	sld [smem:$0x3FB7];
	_ =	sdelay $0x3  }
0x33: {  	p0 =	seq.s32 s10, $0x1;
	s10 =	sld [smem:$0x3FB9];
	_ =	sdelay $0x3  }
0x34: {  	[smem:$0x3FB9] =	sst s10  }
0x35: {  	s10 =	sld [smem:$0x3FB8];
	_ =	sdelay $0x3  }
0x36: {  	p1 =	seq.s32 s10, $0x1;
	s10 =	sld [smem:$0x3FB9];
	_ =	sdelay $0x3  }
0x37: {  	[smem:$0x3FB9] =	sst s10  }
0x38: {  	s10 =	sld [smem:$0x3FBA]  }
0x39: {  	_ = 	snop;
	(pc) =	sbr.ind lr, $3  }
0x3a: {  	_ = 	snop  }
0x3b: {  	_ = 	snop  }
0x3c: {  	p2 =	seq.s32 s10, $0x1;
	s10 =	sld [smem:$0x3FB9]  }
0x3d: {  	_ =	shalt  }
0x3e: {  	_ =	shalt  }
0x3f: {  	_ =	shalt  }
0x40: {  	_ =	shalt  }
0x41: {  	_ =	shalt  }
0x42: {  	_ =	shalt  }
0x43: {  	_ =	shalt  }
0x44: {  	_ =	shalt  }
0x45: {  	_ =	shalt  }
0x46: {  	_ =	shalt  }
0x47: {  	_ =	shalt  }
0x48: {  	_ =	shalt  }
0x49: {  	_ =	shalt  }
0x4a: {  	_ =	shalt  }
0x4b: {  	_ =	shalt  }
0x4c: {  	_ =	shalt  }
0x4d: {  	_ =	shalt  }
0x4e: {  	_ =	shalt  }
0x4f: {  	_ =	shalt  }
0x50: {  	_ =	shalt  }
0x51: {  	_ =	shalt  }
0x52: {  	_ =	shalt  }
0x53: {  	_ =	shalt  }
0x54: {  	_ =	shalt  }
0x55: {  	_ =	shalt  }
0x56: {  	_ =	shalt  }
0x57: {  	_ =	shalt  }
0x58: {  	_ =	shalt  }
0x59: {  	_ =	shalt  }
0x5a: {  	_ =	shalt  }
0x5b: {  	_ =	shalt  }
0x5c: {  	_ =	shalt  }
0x5d: {  	_ =	shalt  }
0x5e: {  	_ =	shalt  }
0x5f: {  	_ =	shalt  }
0x60: {  	_ =	shalt  }
0x61: {  	_ =	shalt  }
0x62: {  	_ =	shalt  }
0x63: {  	_ =	shalt  }
0x64: {  	_ =	shalt  }
0x65: {  	_ =	shalt  }
0x66: {  	_ =	shalt  }
0x67: {  	_ =	shalt  }
0x68: {  	_ =	shalt  }
0x69: {  	_ =	shalt  }
0x6a: {  	_ =	shalt  }
0x6b: {  	_ =	shalt  }
0x6c: {  	_ =	shalt  }
0x6d: {  	_ =	shalt  }
0x6e: {  	_ =	shalt  }
0x6f: {  	_ =	shalt  }
0x70: {  	_ =	shalt  }
0x71: {  	_ =	shalt  }
0x72: {  	_ =	shalt  }
0x73: {  	_ =	shalt  }
0x74: {  	_ =	shalt  }
0x75: {  	_ =	shalt  }
0x76: {  	_ =	shalt  }
0x77: {  	_ =	shalt  }
0x78: {  	_ =	shalt  }
0x79: {  	_ =	shalt  }
0x7a: {  	_ =	shalt  }
0x7b: {  	_ =	shalt  }
0x7c: {  	_ =	shalt  }
0x7d: {  	_ =	shalt  }
0x7e: {  	_ =	shalt  }
0x7f: {  	_ =	shalt  }
0x80: {  	_ =	shalt  }
0x81: {  	_ =	shalt  }
0x82: {  	_ =	shalt  }
0x83: {  	_ =	shalt  }
0x84: {  	_ =	shalt  }
0x85: {  	_ =	shalt  }
0x86: {  	_ =	shalt  }
0x87: {  	_ =	shalt  }
.Lfunc_end0:
.L_simem_size_0:
called_computation.1_lowered:
.L_overlay_start_0:
0x88: {  	s2 =	sld [smem:$0x3FD9]  }
0x89: {  	s3 =	sld [smem:$0x3FFE];
	_ =	sdelay $0x1  }
0x8a: {  	s1 =	srdreg.scid  }
0x8b: {  	s0 =	sand.u32 $0x1, s1  }
0x8c: {  	s17 =	sshll.u32 s0, $0xA;
	s2 =	sadd.s32 s3, s2  }
0x8d: {  	s2 =	sadd.s32 s2, s17  }
0x8e: {  	[smem:$0x3FC5] =	sst s2  }
0x8f: {  	_ = 	snop  }
0x90: {  	s2 =	sld [smem:$0x3FD0];
	(tm) =	ssettm $0x1  }
0x91: {  	s18 =	sld [smem:$0x3FFB];
	_ =	sdelay $0x3  }
0x92: {  	_ =	strace s18  }
0x93: {  	s3 =	sld [smem:$0x3FFC];
	_ =	sdelay $0x3  }
0x94: {  	_ =	strace s3  }
0x95: {  	s3 =	sld [smem:$0x3FFD];
	_ =	sdelay $0x3  }
0x96: {  	_ =	strace s3  }
0x97: {  	_ =	strace $0x8FFFFFFF  }
0x98: {  	s19 =	sld [smem:$0x3FDB];
	_ =	sdelay $0x1  }
0x99: {  	s4 =	simm.s32 $_scs_section_size  }
0x9a: {  	s5 =	simm.s32 $_size__tile_overlayer_lowered;
	s6 =	simm.s32 $_tile_overlayer_lowered  }
0x9b: {  	s22 =	simm.s32 $0x1BFF;
	s21 =	sshll.u32 s6, $0x1;
	s3 =	sadd.s32 s4, s19  }
0x9c: {  	s7 =	simm.s32 $0x0;
	s20 =	sshll.u32 s5, $0x1;
	s5 =	sadd.s32 s21, s3  }
0x9d: {  	[timem:s7], [sflag:s22] =	dma.local [hbm:s5], s20  }
0x9e: {  	_ =	swait.ge [sflag:s22], s20  }
0x9f: {  	s4 =	ssub.s32 $0x0, s20;
	[sflag:s22] =	ssyncset.done $0x0  }
0xa0: {  	[sflag:s22] =	ssyncadd.s32 s4;
	_ =	sdelay $0x1  }
0xa1: {  	s23 =	simm.s32 $0x1B8B  }
0xa2: {  	_ =	swait.ge [sflag:s23], $0x1  }
0xa3: {  	[sflag:s23] =	ssyncset.done $0x0  }
0xa4: {  	s25 =	simm.s32 $0x1B8E;
	s24 =	sld [smem:$0x3FFE];
	[sflag:s23] =	ssyncadd.s32 $0xFFFFFFFF  }
0xa5: {  	s26 =	simm.s32 $execute0_lowered;
	[smem:$0x3FD2] =	sst s25  }
0xa6: {  	s5 =	sshll.u32 s26, $0x1;
	_ =	strace $0x80000046;
	[dreg:$0x1] =	wrdreg $0xFFFFFFFF  }
0xa7: {  	s28 =	simm.s32 $_size_execute0_lowered;
	s3 =	sadd.s32 s3, s5;
	[dreg:$0x0] =	wrdreg $0x0  }
0xa8: {  	s5 =	sshll.u32 s28, $0x1;
	[dreg:$0x2] =	wrdreg s3  }
0xa9: {  	[dreg:$0x3] =	wrdreg s5  }
0xaa: {  	[dreg:$0x4] =	wrdreg $0xC0  }
0xab: {  	_ =	task [dreg:s7], $0x5FFFF  }
0xac: {  	[dreg:$0x1] =	wrdreg $0xFFFFFFFF  }
0xad: {  	[dreg:$0x0] =	wrdreg $0x60  }
0xae: {  	[dreg:$0x2] =	wrdreg s24  }
0xaf: {  	[dreg:$0x3] =	wrdreg s2  }
0xb0: {  	[dreg:$0x4] =	wrdreg $0x9  }
0xb1: {  	_ =	task.clear_ibuf [dreg:s7], $0x5FFFF;
	_ =	strace $0x90000046  }
0xb2: {  	s29 =	simm.s32 $0x9;
	_ =	strace $0x80000048  }
0xb3: {  	_ =	swait.ge [sflag:s29], $0x1  }
0xb4: {  	[sflag:s29] =	ssyncadd.s32 $0xFFFFFFFF  }
0xb5: {  	_ =	strace $0x90000048  }
0xb6: {  	_ =	sfence  }
0xb7: {  	s30 =	sld [smem:$0x0];
	_ =	sdelay $0x2  }
0xb8: {  	s31 =	sshll.u32 s1, $0xD;
	s1 =	sshrl.u32 s1, $0x2  }
0xb9: {  	s3 =	sand.u32 $0x4000, s31;
	s1 =	sadd.s32 s1, s30  }
0xba: {  	s0 =	sor.u32 s3, s0;
	s1 =	sshll.u32 s1, $0x11  }
0xbb: {  	s0 =	sor.u32 s1, s0  }
0xbc: {  	s0 =	sadd.s32 $0x8F2B, s0  }
0xbd: {  	[sflag:s0] =	ssyncadd.remote.s32 $0x1  }
0xbe: {  	_ =	sfence.sel $0xFFFF  }
0xbf: {  	[dreg:$0x0] =	wrdreg $0xFFFFFFFF;
	(pc) =	sbr.abs _section_cstart, $3  }
0xc0: {  	[dreg:$0x1] =	wrdreg $0xFFFFFFFF  }
0xc1: {  	_ =	task.clear_ibuf [dreg:s7], $0x2FFFF;
	_ =	strace $0x9FFFFFFF  }
0xc2: {  	(tm) =	ssettm $0x7FFFFFFF  }
0xc3: {  	_ =	shalt  }
tec
execute0_lowered:
.L_overlay_start_1:
0x0: {  	(tag) =	ssettag $0x1  }
0x1: {  	s0 =	rddreg [dreg:$0x0]  }
0x2: {  	s2 =	rddreg [dreg:$0x1]  }
0x3: {  	s1 =	srdreg.scid;
	s4 =	stileid.u32;
	s3 =	simm.s32 $0x0  }
0x4: {  	s13 =	simm.s32 $0x5;
	s14 =	simm.s32 $0x78;
	s16 =	simm.s32 $0x50  }
0x5: {  	s31 =	simm.s32 $0x1;
	s19 =	simm.s32 $0x10040;
	s20 =	simm.s32 $0x460  }
0x6: {  	s21 =	simm.s32 $0x11E40;
	s22 =	simm.s32 $0x4B0;
	s23 =	simm.s32 $0x13240  }
0x7: {  	s24 =	simm.s32 $0x528;
	s28 =	simm.s32 $0x16440;
	s29 =	simm.s32 $0x5F0  }
0x8: {  	s30 =	simm.s32 $0x18240;
	s12 =	simm.s32 $0x0;
	s1 =	sand.u32 $0x1, s1  }
0x9: {  	s4 =	sshll.u32 s4, $0x8;
	[smem:$0x7FF] =	sst s3;
	s6 =	sadd.s32 $0xF43200, s0  }
0xa: {  	s5 =	sshll.u32 s1, $0x7;
	_ =	strace $0x80000047;
	s1 =	ssub.s32 $0x2, s1  }
0xb: {  	s4 =	sor.u32 s5, s4;
	s5 =	sadd.s32 $0xE00, s0;
	s0 =	sadd.s32 $0x19E00, s0  }
0xc: {  	s8 =	sshrl.u32 s1, $0x1;
	s7 =	smul.u32 $0x19, s4;
	[dreg:$0x3] =	wrdreg s0  }
0xd: {  	s25 =	ssub.s32 s1, s8;
	s9 =	sor.u32 $0x4, s4;
	s10 =	sor.u32 $0x8, s4  }
0xe: {  	s1 =	simm.s32 $0xCE40;
	s0 =	smax.u32 s25, $0x1;
	s25 =	simm.s32 $0x15040  }
0xf: {  	s26 =	sadd.s32 s5, s7;
	[dreg:$0x5] =	wrdreg s0;
	s0 =	simm.s32 $0x320  }
0x10: {  	s7 =	simm.s32 $0x2;
	[dreg:$0x4] =	wrdreg s26;
	s26 =	simm.s32 $0x578  }
.LBB2_1:
0x11: {  	[dreg:$0x6] =	wrdreg s12  }
0x12: {  	s8 =	rddreg [dreg:$0x3];
	s11 =	simm.s32 $0x19640  }
0x13: {  	[tilespmem:s11], [sflag:$0x5] =	stream.linear.gather [hbm4b:s8+s3], $0x3200, $0x38;
	[tilespmem:$0x1C840] =	vst v63  }
0x14: {  	_ =	swait.ge [sflag:s13], $0x3200  }
0x15: {  	[sflag:s13] =	ssyncset.done $0x0  }
0x16: {  	s17 =	rddreg [dreg:$0x4];
	[sflag:s13] =	ssyncadd.s32 $0xFFFFCE00  }
0x17: {  	[tilespmem:s3], [sflag:$0x5] =	stream.linear.gather [hbm4b:s17+s3], $0x320, $0x38;
	[tilespmem:$0x1C840] =	vst v63  }
0x18: {  	_ =	swait.ge [sflag:s13], $0x320  }
0x19: {  	[sflag:s13] =	ssyncset.done $0x0  }
0x1a: {  	s18 =	simm.s32 $0x640;
	[sflag:s13] =	ssyncadd.s32 $0xFFFFFCE0  }
0x1b: {  	[tilespmem:s18], [sflag:$0x1] =	stream.indirect.gather [hbm4b:s6+s14], $0x40, s3, s14, $0xb8;
	[tilespmem:$0x1C840] =	vst v63  }
0x1c: {  	s11 =	simm.s32 $0x2440  }
0x1d: {  	[tilespmem:s11], [sflag:$0x1] =	stream.indirect.gather [hbm4b:s6+s16], $0x40, s14, s16, $0xb8;
	[tilespmem:$0x1C840] =	vst v63  }
0x1e: {  	s12 =	simm.s32 $0xC8;
	s15 =	simm.s32 $0x3840  }
0x1f: {  	[tilespmem:s15], [sflag:$0x1] =	stream.indirect.gather [hbm4b:s6+s14], $0x40, s12, s14, $0xb8;
	[tilespmem:$0x1C840] =	vst v63  }
0x20: {  	s17 =	simm.s32 $0x140;
	s18 =	simm.s32 $0x5640  }
0x21: {  	[tilespmem:s18], [sflag:$0x1] =	stream.indirect.gather [hbm4b:s6+s16], $0x40, s17, s16, $0xb8;
	[tilespmem:$0x1C840] =	vst v63  }
0x22: {  	s12 =	simm.s32 $0x190;
	s15 =	simm.s32 $0x6A40  }
0x23: {  	[tilespmem:s15], [sflag:$0x1] =	stream.indirect.gather [hbm4b:s6+s14], $0x40, s12, s14, $0xb8;
	[tilespmem:$0x1C840] =	vst v63  }
0x24: {  	s17 =	simm.s32 $0x208;
	s18 =	simm.s32 $0x8840  }
0x25: {  	[tilespmem:s18], [sflag:$0x1] =	stream.indirect.gather [hbm4b:s6+s16], $0x40, s17, s16, $0xb8;
	[tilespmem:$0x1C840] =	vst v63  }
0x26: {  	s12 =	simm.s32 $0x258;
	s15 =	simm.s32 $0x9C40  }
0x27: {  	[tilespmem:s15], [sflag:$0x1] =	stream.indirect.gather [hbm4b:s6+s14], $0x40, s12, s14, $0xb8;
	[tilespmem:$0x1C840] =	vst v63  }
0x28: {  	s11 =	simm.s32 $0x0;
	s17 =	simm.s32 $0x2D0;
	s18 =	simm.s32 $0xBA40  }
0x29: {  	[tilespmem:s18], [sflag:$0x1] =	stream.indirect.gather [hbm4b:s6+s16], $0x40, s17, s16, $0xb8;
	[tilespmem:$0x1C840] =	vst v63  }
.LBB2_2:
0x2a: {  	_ =	swait.ge [sflag:s31], $0x1E00  }
0x2b: {  	[sflag:s31] =	ssyncset.done $0x0  }
0x2c: {  	[sflag:s31] =	ssyncadd.s32 $0xFFFFE200  }
0x2d: {  	_ =	swait.ge [sflag:s31], $0x1400  }
0x2e: {  	[sflag:s31] =	ssyncset.done $0x0  }
0x2f: {  	[sflag:s31] =	ssyncadd.s32 $0xFFFFEC00  }
0x30: {  	_ =	swait.ge [sflag:s31], $0x1E00  }
0x31: {  	[sflag:s31] =	ssyncset.done $0x0  }
0x32: {  	[sflag:s31] =	ssyncadd.s32 $0xFFFFE200  }
0x33: {  	_ =	swait.ge [sflag:s31], $0x1400  }
0x34: {  	[sflag:s31] =	ssyncset.done $0x0  }
0x35: {  	[sflag:s31] =	ssyncadd.s32 $0xFFFFEC00  }
0x36: {  	_ =	swait.ge [sflag:s31], $0x1E00  }
0x37: {  	[sflag:s31] =	ssyncset.done $0x0  }
0x38: {  	[sflag:s31] =	ssyncadd.s32 $0xFFFFE200  }
0x39: {  	_ =	swait.ge [sflag:s31], $0x1400  }
0x3a: {  	[sflag:s31] =	ssyncset.done $0x0  }
0x3b: {  	[sflag:s31] =	ssyncadd.s32 $0xFFFFEC00  }
0x3c: {  	_ =	swait.ge [sflag:s31], $0x1E00  }
0x3d: {  	[sflag:s31] =	ssyncset.done $0x0  }
0x3e: {  	[sflag:s31] =	ssyncadd.s32 $0xFFFFE200  }
0x3f: {  	_ =	swait.ge [sflag:s31], $0x1400  }
0x40: {  	s15 =	sshll.u32 s11, $0x3;
	p0 =	seq.s32 s11, $0x0;
	[sflag:s31] =	ssyncset.done $0x0  }
0x41: {  	s12 =	simm.s32 @!p0 $0x4;
	s8 =	sadd.s32 s9, s15;
	[sflag:s31] =	ssyncadd.s32 $0xFFFFEC00  }
0x42: {  	s17 =	smul.u32 $0x19, s8;
	_ =	swait.ge @!p0 [sflag:s12], $0xC800  }
0x43: {  	[sflag:s12] =	ssyncset.done @!p0 $0x0  }
0x44: {  	s18 =	simm.s32 $0x0;
	s17 =	sadd.s32 s5, s17;
	[sflag:s12] =	ssyncadd.s32 @!p0 $0xFFFF3800  }
0x45: {  	[tilespmem:s0], [sflag:$0x5] =	stream.linear.gather [hbm4b:s17+s18], $0x320, $0x38;
	[tilespmem:$0x1C840] =	vst v63  }
0x46: {  	_ =	swait.ge [sflag:s13], $0x320  }
0x47: {  	[sflag:s13] =	ssyncset.done $0x0  }
0x48: {  	[sflag:s13] =	ssyncadd.s32 $0xFFFFFCE0  }
0x49: {  	[tilespmem:s1], [sflag:$0x2] =	stream.indirect.gather [hbm4b:s6+s14], $0x40, s0, s14, $0xb8;
	[tilespmem:$0x1C840] =	vst v63  }
0x4a: {  	s17 =	simm.s32 $0x398;
	s18 =	simm.s32 $0xEC40  }
0x4b: {  	[tilespmem:s18], [sflag:$0x2] =	stream.indirect.gather [hbm4b:s6+s16], $0x40, s17, s16, $0xb8;
	[tilespmem:$0x1C840] =	vst v63  }
0x4c: {  	s18 =	simm.s32 $0x3E8  }
0x4d: {  	[tilespmem:s19], [sflag:$0x2] =	stream.indirect.gather [hbm4b:s6+s14], $0x40, s18, s14, $0xb8;
	[tilespmem:$0x1C840] =	vst v63  }
0x4e: {  	_ = 	snop  }
0x4f: {  	[tilespmem:s21], [sflag:$0x2] =	stream.indirect.gather [hbm4b:s6+s16], $0x40, s20, s16, $0xb8;
	[tilespmem:$0x1C840] =	vst v63  }
0x50: {  	_ = 	snop  }
0x51: {  	[tilespmem:s23], [sflag:$0x2] =	stream.indirect.gather [hbm4b:s6+s14], $0x40, s22, s14, $0xb8;
	[tilespmem:$0x1C840] =	vst v63  }
0x52: {  	_ = 	snop  }
0x53: {  	[tilespmem:s25], [sflag:$0x2] =	stream.indirect.gather [hbm4b:s6+s16], $0x40, s24, s16, $0xb8;
	[tilespmem:$0x1C840] =	vst v63  }
0x54: {  	_ = 	snop  }
0x55: {  	[tilespmem:s28], [sflag:$0x2] =	stream.indirect.gather [hbm4b:s6+s14], $0x40, s26, s14, $0xb8;
	[tilespmem:$0x1C840] =	vst v63  }
0x56: {  	s12 =	simm.s32 $0x0  }
0x57: {  	[tilespmem:s30], [sflag:$0x2] =	stream.indirect.gather [hbm4b:s6+s16], $0x40, s29, s16, $0xb8;
	[tilespmem:$0x1C840] =	vst v63  }
0x58: {  	v0 =	vld [tilespmem:s12+$0x19670]  }
0x59: {  	v1 =	vld [tilespmem:s12+$0x9C70]  }
0x5a: {  	v2 =	vld [tilespmem:s12+$0x19640]  }
0x5b: {  	v3 =	vld [tilespmem:s12+$0x640]  }
0x5c: {  	v4 =	vld [tilespmem:s12+$0x3840]  }
0x5d: {  	v5 =	vld [tilespmem:s12+$0x6A40]  }
0x5e: {  	v6 =	vld [tilespmem:s12+$0x9C40]  }
0x5f: {  	v7 =	vld [tilespmem:s12+$0x19650];
	v1 =	vadd.f32 v1, v0  }
0x60: {  	v9 =	vld [tilespmem:s12+$0x3850];
	v3 =	vadd.f32 v3, v2  }
0x61: {  	v8 =	vld [tilespmem:s12+$0x650];
	[tilespmem:s12+$0x9C70] =	vst v1  }
0x62: {  	v1 =	vadd.f32 v4, v2;
	[tilespmem:s12+$0x640] =	vst v3;
	v3 =	vld [tilespmem:s12+$0x6A50]  }
0x63: {  	v4 =	vadd.f32 v5, v2;
	v5 =	vld [tilespmem:s12+$0x9C50]  }
0x64: {  	v2 =	vadd.f32 v6, v2;
	[tilespmem:s12+$0x3840] =	vst v1;
	v1 =	vld [tilespmem:s12+$0x19660]  }
0x65: {  	v6 =	vadd.f32 v9, v7;
	[tilespmem:s12+$0x6A40] =	vst v4;
	v4 =	vld [tilespmem:s12+$0x660]  }
0x66: {  	[tilespmem:s12+$0x9C40] =	vst v2;
	v2 =	vadd.f32 v8, v7;
	v8 =	vld [tilespmem:s12+$0x3860]  }
0x67: {  	v9 =	vld [tilespmem:s12+$0x6A60];
	[tilespmem:s12+$0x3850] =	vst v6  }
0x68: {  	v6 =	vld [tilespmem:s12+$0x9C60];
	[tilespmem:s12+$0x650] =	vst v2;
	v2 =	vadd.f32 v3, v7  }
0x69: {  	v3 =	vadd.f32 v5, v7;
	v5 =	vld [tilespmem:s12+$0x670]  }
0x6a: {  	[tilespmem:s12+$0x6A50] =	vst v2;
	v10 =	vadd.f32 v4, v1;
	v4 =	vld [tilespmem:s12+$0x3870]  }
0x6b: {  	s17 =	simm.s32 $0x40;
	[tilespmem:s12+$0x9C50] =	vst v3;
	v3 =	vld [tilespmem:s12+$0x6A70];
	v7 =	vadd.f32 v8, v1  }
0x6c: {  	s18 =	simm.s32 $0x200;
	v2 =	vld [tilespmem:s17+$0x19670];
	v8 =	vadd.f32 v9, v1;
	[tilespmem:s12+$0x660] =	vst v10  }
.LBB2_3:
0x6d: {  	p0 =	sne.s32 s18, $0xC700;
	v9 =	vld [tilespmem:s17+$0x9C70];
	[tilespmem:s12+$0x3860] =	vst v7;
	v1 =	vadd.f32 v6, v1  }
0x6e: {  	v6 =	vld [tilespmem:s17+$0x19640];
	[tilespmem:s12+$0x6A60] =	vst v8;
	v5 =	vadd.f32 v5, v0  }
0x6f: {  	v7 =	vld [tilespmem:s17+$0x640];
	[tilespmem:s12+$0x9C60] =	vst v1;
	v1 =	vadd.f32 v4, v0  }
0x70: {  	v4 =	vld [tilespmem:s17+$0x3840];
	[tilespmem:s12+$0x670] =	vst v5;
	v3 =	vadd.f32 v3, v0  }
0x71: {  	v5 =	vld [tilespmem:s17+$0x6A40];
	[tilespmem:s12+$0x3870] =	vst v1;
	v0 =	vmov v2  }
0x72: {  	v1 =	vld [tilespmem:s17+$0x9C40];
	v2 =	vadd.f32 v9, v0;
	[tilespmem:s12+$0x6A70] =	vst v3;
	s12 =	smov.u32 s17  }
0x73: {  	v3 =	vld [tilespmem:s12+$0x19650]  }
0x74: {  	v7 =	vadd.f32 v7, v6;
	v8 =	vld [tilespmem:s12+$0x650];
	[tilespmem:s12+$0x9C70] =	vst v2  }
0x75: {  	v2 =	vadd.f32 v4, v6;
	v4 =	vld [tilespmem:s12+$0x3850]  }
0x76: {  	[tilespmem:s12+$0x640] =	vst v7;
	v5 =	vadd.f32 v5, v6;
	v7 =	vld [tilespmem:s12+$0x6A50]  }
0x77: {  	[tilespmem:s12+$0x3840] =	vst v2;
	v2 =	vadd.f32 v1, v6;
	v6 =	vld [tilespmem:s12+$0x9C50]  }
0x78: {  	[tilespmem:s12+$0x6A40] =	vst v5;
	v1 =	vld [tilespmem:s12+$0x19660]  }
0x79: {  	[tilespmem:s12+$0x9C40] =	vst v2;
	v2 =	vadd.f32 v8, v3;
	v8 =	vld [tilespmem:s12+$0x660]  }
0x7a: {  	v4 =	vadd.f32 v4, v3;
	v9 =	vld [tilespmem:s12+$0x3860]  }
0x7b: {  	[tilespmem:s12+$0x650] =	vst v2;
	v2 =	vadd.f32 v7, v3;
	v10 =	vld [tilespmem:s12+$0x6A60]  }
.Ltmp0:
0x7c: {  	[tilespmem:s12+$0x3850] =	vst v4;
	v3 =	vadd.f32 v6, v3;
	v6 =	vld [tilespmem:s12+$0x9C60];
	(pc) =	sbr.rel @p0 .LBB2_3-.Ltmp0, $4  }
0x7d: {  	[tilespmem:s12+$0x6A50] =	vst v2;
	v5 =	vld [tilespmem:s12+$0x670]  }
0x7e: {  	[tilespmem:s12+$0x9C50] =	vst v3;
	v8 =	vadd.f32 v8, v1;
	v4 =	vld [tilespmem:s12+$0x3870]  }
0x7f: {  	s17 =	sshra.s32 s18, $0x2;
	v7 =	vadd.f32 v9, v1;
	v3 =	vld [tilespmem:s12+$0x6A70]  }
0x80: {  	s18 =	sadd.s32 $0x100, s18;
	v2 =	vld [tilespmem:s17+$0x19670];
	[tilespmem:s12+$0x660] =	vst v8;
	v8 =	vadd.f32 v10, v1  }
0x81: {  	v9 =	vld [tilespmem:s17+$0x9C70]  }
0x82: {  	v10 =	vld [tilespmem:s17+$0x19640]  }
0x83: {  	v11 =	vld [tilespmem:s17+$0x640]  }
0x84: {  	v12 =	vld [tilespmem:s17+$0x3840]  }
0x85: {  	v13 =	vld [tilespmem:s17+$0x6A40];
	[tilespmem:s12+$0x3860] =	vst v7;
	v1 =	vadd.f32 v6, v1  }
0x86: {  	v14 =	vld [tilespmem:s17+$0x9C40];
	[tilespmem:s12+$0x6A60] =	vst v8;
	v5 =	vadd.f32 v5, v0  }
0x87: {  	v15 =	vld [tilespmem:s17+$0x19650];
	[tilespmem:s12+$0x9C60] =	vst v1;
	v4 =	vadd.f32 v4, v0  }
0x88: {  	v62 =	vld [tilespmem:s17+$0x19660];
	[tilespmem:s12+$0x670] =	vst v5;
	v0 =	vadd.f32 v3, v0  }
0x89: {  	v63 =	vld [tilespmem:s17+$0x660];
	[tilespmem:s12+$0x3870] =	vst v4;
	v9 =	vadd.f32 v9, v2  }
0x8a: {  	v7 =	vld [tilespmem:s17+$0x3860];
	v11 =	vadd.f32 v11, v10;
	[tilespmem:s12+$0x6A70] =	vst v0  }
0x8b: {  	v16 =	vld [tilespmem:s17+$0x650];
	v12 =	vadd.f32 v12, v10;
	[tilespmem:s17+$0x9C70] =	vst v9  }
0x8c: {  	v6 =	vld [tilespmem:s17+$0x6A60];
	v13 =	vadd.f32 v13, v10;
	[tilespmem:s17+$0x640] =	vst v11  }
0x8d: {  	v1 =	vld [tilespmem:s17+$0x9C60];
	v10 =	vadd.f32 v14, v10;
	[tilespmem:s17+$0x3840] =	vst v12  }
0x8e: {  	v5 =	vld [tilespmem:s17+$0x670];
	v3 =	vadd.f32 v63, v62;
	[tilespmem:s17+$0x6A40] =	vst v13  }
0x8f: {  	v4 =	vld [tilespmem:s17+$0x3870];
	v0 =	vadd.f32 v7, v62;
	[tilespmem:s17+$0x9C40] =	vst v10  }
0x90: {  	v7 =	vld [tilespmem:s17+$0x6A70];
	v10 =	vadd.f32 v16, v15;
	[tilespmem:s17+$0x660] =	vst v3  }
0x91: {  	v9 =	vld [tilespmem:s17+$0x3850];
	v3 =	vadd.f32 v6, v62;
	[tilespmem:s17+$0x3860] =	vst v0  }
0x92: {  	v11 =	vld [tilespmem:s17+$0x6A50];
	v0 =	vadd.f32 v1, v62;
	[tilespmem:s17+$0x650] =	vst v10  }
0x93: {  	v61 =	vld [tilespmem:s17+$0x9C50];
	v1 =	vadd.f32 v5, v2;
	[tilespmem:s17+$0x6A60] =	vst v3  }
0x94: {  	[tilespmem:s17+$0x9C60] =	vst v0;
	v0 =	vadd.f32 v4, v2  }
0x95: {  	[tilespmem:s17+$0x670] =	vst v1;
	v1 =	vadd.f32 v7, v2  }
0x96: {  	[tilespmem:s17+$0x3870] =	vst v0;
	v9 =	vadd.f32 v9, v15  }
0x97: {  	s18 =	sadd.s32 s4, s15;
	v8 =	vadd.f32 v11, v15;
	[tilespmem:s17+$0x6A70] =	vst v1  }
0x98: {  	s12 =	smul.u32 $0x640, s18;
	[tilespmem:s17+$0x3850] =	vst v9;
	v9 =	vadd.f32 v61, v15  }
0x99: {  	[tilespmem:s17+$0x6A50] =	vst v8  }
0x9a: {  	s18 =	simm.s32 $0x640;
	s12 =	sadd.s32 s2, s12;
	[tilespmem:s17+$0x9C50] =	vst v9  }
0x9b: {  	[hbm4b:s12+s3] =	stream.linear.scatter [tilespmem:s18], [sflag:$0x3], $0xC800, $0x38;
	[tilespmem:$0x1C840] =	vst v63  }
0x9c: {  	_ =	swait.ge [sflag:s7], $0x1E00  }
0x9d: {  	[sflag:s7] =	ssyncset.done $0x0  }
0x9e: {  	[sflag:s7] =	ssyncadd.s32 $0xFFFFE200  }
0x9f: {  	_ =	swait.ge [sflag:s7], $0x1400  }
0xa0: {  	[sflag:s7] =	ssyncset.done $0x0  }
0xa1: {  	[sflag:s7] =	ssyncadd.s32 $0xFFFFEC00  }
0xa2: {  	_ =	swait.ge [sflag:s7], $0x1E00  }
0xa3: {  	[sflag:s7] =	ssyncset.done $0x0  }
0xa4: {  	[sflag:s7] =	ssyncadd.s32 $0xFFFFE200  }
0xa5: {  	_ =	swait.ge [sflag:s7], $0x1400  }
0xa6: {  	[sflag:s7] =	ssyncset.done $0x0  }
0xa7: {  	[sflag:s7] =	ssyncadd.s32 $0xFFFFEC00  }
0xa8: {  	_ =	swait.ge [sflag:s7], $0x1E00  }
0xa9: {  	[sflag:s7] =	ssyncset.done $0x0  }
0xaa: {  	[sflag:s7] =	ssyncadd.s32 $0xFFFFE200  }
0xab: {  	_ =	swait.ge [sflag:s7], $0x1400  }
0xac: {  	[sflag:s7] =	ssyncset.done $0x0  }
0xad: {  	[sflag:s7] =	ssyncadd.s32 $0xFFFFEC00  }
0xae: {  	_ =	swait.ge [sflag:s7], $0x1E00  }
0xaf: {  	[sflag:s7] =	ssyncset.done $0x0  }
0xb0: {  	[sflag:s7] =	ssyncadd.s32 $0xFFFFE200  }
0xb1: {  	_ =	swait.ge [sflag:s7], $0x1400  }
0xb2: {  	p0 =	seq.s32 s11, $0xF;
	[sflag:s7] =	ssyncset.done $0x0  }
0xb3: {  	s15 =	sadd.s32 @!p0 s15, s10;
	s12 =	simm.s32 @!p0 $0x3;
	[sflag:s7] =	ssyncadd.s32 $0xFFFFEC00  }
0xb4: {  	s15 =	smul.u32 @!p0 $0x19, s15;
	_ =	swait.ge @!p0 [sflag:s12], $0xC800  }
0xb5: {  	[sflag:s12] =	ssyncset.done @!p0 $0x0  }
0xb6: {  	[sflag:s12] =	ssyncadd.s32 @!p0 $0xFFFF3800;
	s12 =	sadd.s32 @!p0 s5, s15;
	s15 =	simm.s32 @!p0 $0x0  }
0xb7: {  	[tilespmem:s15], [sflag:$0x5] =	stream.linear.gather @!p0 [hbm4b:s12+s15], $0x320, $0x38;
	[tilespmem:$0x1C840] =	vst v63  }
0xb8: {  	s12 =	simm.s32 @!p0 $0x5  }
0xb9: {  	_ =	swait.ge @!p0 [sflag:s12], $0x320  }
0xba: {  	[sflag:s12] =	ssyncset.done @!p0 $0x0  }
0xbb: {  	s17 =	simm.s32 @!p0 $0x640;
	[sflag:s12] =	ssyncadd.s32 @!p0 $0xFFFFFCE0;
	s12 =	simm.s32 @!p0 $0x78  }
0xbc: {  	[tilespmem:s17], [sflag:$0x1] =	stream.indirect.gather @!p0 [hbm4b:s6+s12], $0x40, s15, s12, $0xb8;
	[tilespmem:$0x1C840] =	vst v63  }
0xbd: {  	s15 =	simm.s32 @!p0 $0x50;
	s17 =	simm.s32 @!p0 $0x2440  }
0xbe: {  	[tilespmem:s17], [sflag:$0x1] =	stream.indirect.gather @!p0 [hbm4b:s6+s15], $0x40, s12, s15, $0xb8;
	[tilespmem:$0x1C840] =	vst v63  }
0xbf: {  	s18 =	simm.s32 @!p0 $0x3840;
	s17 =	simm.s32 @!p0 $0xC8  }
0xc0: {  	[tilespmem:s18], [sflag:$0x1] =	stream.indirect.gather @!p0 [hbm4b:s6+s12], $0x40, s17, s12, $0xb8;
	[tilespmem:$0x1C840] =	vst v63  }
0xc1: {  	s17 =	simm.s32 @!p0 $0x140;
	s18 =	simm.s32 @!p0 $0x5640  }
0xc2: {  	[tilespmem:s18], [sflag:$0x1] =	stream.indirect.gather @!p0 [hbm4b:s6+s15], $0x40, s17, s15, $0xb8;
	[tilespmem:$0x1C840] =	vst v63  }
0xc3: {  	s17 =	simm.s32 @!p0 $0x190;
	s18 =	simm.s32 @!p0 $0x6A40  }
0xc4: {  	[tilespmem:s18], [sflag:$0x1] =	stream.indirect.gather @!p0 [hbm4b:s6+s12], $0x40, s17, s12, $0xb8;
	[tilespmem:$0x1C840] =	vst v63  }
0xc5: {  	s17 =	simm.s32 @!p0 $0x208;
	s18 =	simm.s32 @!p0 $0x8840  }
0xc6: {  	[tilespmem:s18], [sflag:$0x1] =	stream.indirect.gather @!p0 [hbm4b:s6+s15], $0x40, s17, s15, $0xb8;
	[tilespmem:$0x1C840] =	vst v63  }
0xc7: {  	s17 =	simm.s32 @!p0 $0x258;
	s18 =	simm.s32 @!p0 $0x9C40  }
0xc8: {  	[tilespmem:s18], [sflag:$0x1] =	stream.indirect.gather @!p0 [hbm4b:s6+s12], $0x40, s17, s12, $0xb8;
	[tilespmem:$0x1C840] =	vst v63  }
0xc9: {  	s12 =	simm.s32 @!p0 $0x2D0;
	s17 =	simm.s32 @!p0 $0xBA40  }
0xca: {  	[tilespmem:s17], [sflag:$0x1] =	stream.indirect.gather @!p0 [hbm4b:s6+s15], $0x40, s12, s15, $0xb8;
	[tilespmem:$0x1C840] =	vst v63  }
0xcb: {  	s12 =	simm.s32 $0x0  }
0xcc: {  	v0 =	vld [tilespmem:s12+$0x19670]  }
0xcd: {  	v1 =	vld [tilespmem:s12+$0x16470]  }
0xce: {  	v2 =	vld [tilespmem:s12+$0x19640]  }
0xcf: {  	v3 =	vld [tilespmem:s12+$0xCE40]  }
0xd0: {  	v4 =	vld [tilespmem:s12+$0x10040]  }
0xd1: {  	v5 =	vld [tilespmem:s12+$0x13240]  }
0xd2: {  	v6 =	vld [tilespmem:s12+$0x16440]  }
0xd3: {  	v7 =	vld [tilespmem:s12+$0x19650];
	v1 =	vadd.f32 v1, v0  }
0xd4: {  	v9 =	vld [tilespmem:s12+$0x10050];
	v3 =	vadd.f32 v3, v2  }
0xd5: {  	v8 =	vld [tilespmem:s12+$0xCE50];
	[tilespmem:s12+$0x16470] =	vst v1  }
0xd6: {  	v1 =	vadd.f32 v4, v2;
	[tilespmem:s12+$0xCE40] =	vst v3;
	v3 =	vld [tilespmem:s12+$0x13250]  }
0xd7: {  	v4 =	vadd.f32 v5, v2;
	v5 =	vld [tilespmem:s12+$0x16450]  }
0xd8: {  	v2 =	vadd.f32 v6, v2;
	[tilespmem:s12+$0x10040] =	vst v1;
	v1 =	vld [tilespmem:s12+$0x19660]  }
0xd9: {  	v6 =	vadd.f32 v9, v7;
	[tilespmem:s12+$0x13240] =	vst v4;
	v4 =	vld [tilespmem:s12+$0xCE60]  }
0xda: {  	[tilespmem:s12+$0x16440] =	vst v2;
	v2 =	vadd.f32 v8, v7;
	v8 =	vld [tilespmem:s12+$0x10060]  }
0xdb: {  	v9 =	vld [tilespmem:s12+$0x13260];
	[tilespmem:s12+$0x10050] =	vst v6  }
0xdc: {  	v6 =	vld [tilespmem:s12+$0x16460];
	[tilespmem:s12+$0xCE50] =	vst v2;
	v2 =	vadd.f32 v3, v7  }
0xdd: {  	v3 =	vadd.f32 v5, v7;
	v5 =	vld [tilespmem:s12+$0xCE70]  }
0xde: {  	[tilespmem:s12+$0x13250] =	vst v2;
	v10 =	vadd.f32 v4, v1;
	v4 =	vld [tilespmem:s12+$0x10070]  }
0xdf: {  	s15 =	simm.s32 $0x40;
	[tilespmem:s12+$0x16450] =	vst v3;
	v3 =	vld [tilespmem:s12+$0x13270];
	v7 =	vadd.f32 v8, v1  }
0xe0: {  	s17 =	simm.s32 $0x200;
	v2 =	vld [tilespmem:s15+$0x19670];
	v8 =	vadd.f32 v9, v1;
	[tilespmem:s12+$0xCE60] =	vst v10  }
.LBB2_5:
0xe1: {  	p0 =	sne.s32 s17, $0xC700;
	v9 =	vld [tilespmem:s15+$0x16470];
	[tilespmem:s12+$0x10060] =	vst v7;
	v1 =	vadd.f32 v6, v1  }
0xe2: {  	v6 =	vld [tilespmem:s15+$0x19640];
	[tilespmem:s12+$0x13260] =	vst v8;
	v5 =	vadd.f32 v5, v0  }
0xe3: {  	v7 =	vld [tilespmem:s15+$0xCE40];
	[tilespmem:s12+$0x16460] =	vst v1;
	v1 =	vadd.f32 v4, v0  }
0xe4: {  	v4 =	vld [tilespmem:s15+$0x10040];
	[tilespmem:s12+$0xCE70] =	vst v5;
	v3 =	vadd.f32 v3, v0  }
0xe5: {  	v5 =	vld [tilespmem:s15+$0x13240];
	[tilespmem:s12+$0x10070] =	vst v1;
	v0 =	vmov v2  }
0xe6: {  	v1 =	vld [tilespmem:s15+$0x16440];
	v2 =	vadd.f32 v9, v0;
	[tilespmem:s12+$0x13270] =	vst v3;
	s12 =	smov.u32 s15  }
0xe7: {  	v3 =	vld [tilespmem:s12+$0x19650]  }
0xe8: {  	v7 =	vadd.f32 v7, v6;
	v8 =	vld [tilespmem:s12+$0xCE50];
	[tilespmem:s12+$0x16470] =	vst v2  }
0xe9: {  	v2 =	vadd.f32 v4, v6;
	v4 =	vld [tilespmem:s12+$0x10050]  }
0xea: {  	[tilespmem:s12+$0xCE40] =	vst v7;
	v5 =	vadd.f32 v5, v6;
	v7 =	vld [tilespmem:s12+$0x13250]  }
0xeb: {  	[tilespmem:s12+$0x10040] =	vst v2;
	v2 =	vadd.f32 v1, v6;
	v6 =	vld [tilespmem:s12+$0x16450]  }
0xec: {  	[tilespmem:s12+$0x13240] =	vst v5;
	v1 =	vld [tilespmem:s12+$0x19660]  }
0xed: {  	[tilespmem:s12+$0x16440] =	vst v2;
	v2 =	vadd.f32 v8, v3;
	v8 =	vld [tilespmem:s12+$0xCE60]  }
0xee: {  	v4 =	vadd.f32 v4, v3;
	v9 =	vld [tilespmem:s12+$0x10060]  }
0xef: {  	[tilespmem:s12+$0xCE50] =	vst v2;
	v2 =	vadd.f32 v7, v3;
	v10 =	vld [tilespmem:s12+$0x13260]  }
.Ltmp1:
0xf0: {  	[tilespmem:s12+$0x10050] =	vst v4;
	v3 =	vadd.f32 v6, v3;
	v6 =	vld [tilespmem:s12+$0x16460];
	(pc) =	sbr.rel @p0 .LBB2_5-.Ltmp1, $4  }
0xf1: {  	[tilespmem:s12+$0x13250] =	vst v2;
	v5 =	vld [tilespmem:s12+$0xCE70]  }
0xf2: {  	[tilespmem:s12+$0x16450] =	vst v3;
	v8 =	vadd.f32 v8, v1;
	v4 =	vld [tilespmem:s12+$0x10070]  }
0xf3: {  	s15 =	sshra.s32 s17, $0x2;
	v7 =	vadd.f32 v9, v1;
	v3 =	vld [tilespmem:s12+$0x13270]  }
0xf4: {  	s17 =	sadd.s32 $0x100, s17;
	v2 =	vld [tilespmem:s15+$0x19670];
	[tilespmem:s12+$0xCE60] =	vst v8;
	v8 =	vadd.f32 v10, v1  }
0xf5: {  	v9 =	vld [tilespmem:s15+$0x16470]  }
0xf6: {  	v10 =	vld [tilespmem:s15+$0x19640]  }
0xf7: {  	v11 =	vld [tilespmem:s15+$0xCE40]  }
0xf8: {  	v12 =	vld [tilespmem:s15+$0x10040]  }
0xf9: {  	v13 =	vld [tilespmem:s15+$0x13240];
	[tilespmem:s12+$0x10060] =	vst v7;
	v1 =	vadd.f32 v6, v1  }
0xfa: {  	v14 =	vld [tilespmem:s15+$0x16440];
	[tilespmem:s12+$0x13260] =	vst v8;
	v5 =	vadd.f32 v5, v0  }
0xfb: {  	v15 =	vld [tilespmem:s15+$0x19650];
	[tilespmem:s12+$0x16460] =	vst v1;
	v4 =	vadd.f32 v4, v0  }
0xfc: {  	v16 =	vld [tilespmem:s15+$0xCE50];
	[tilespmem:s12+$0xCE70] =	vst v5;
	v54 =	vadd.f32 v3, v0  }
0xfd: {  	v43 =	vld [tilespmem:s15+$0x13250];
	[tilespmem:s12+$0x10070] =	vst v4;
	v9 =	vadd.f32 v9, v2  }
0xfe: {  	v44 =	vld [tilespmem:s15+$0x16450];
	v11 =	vadd.f32 v11, v10;
	[tilespmem:s12+$0x13270] =	vst v54  }
0xff: {  	v45 =	vld [tilespmem:s15+$0x19660];
	v12 =	vadd.f32 v12, v10;
	[tilespmem:s15+$0x16470] =	vst v9  }
0x100: {  	v47 =	vld [tilespmem:s15+$0xCE60];
	v13 =	vadd.f32 v13, v10;
	[tilespmem:s15+$0xCE40] =	vst v11  }
0x101: {  	v48 =	vld [tilespmem:s15+$0x10060];
	v10 =	vadd.f32 v14, v10;
	[tilespmem:s15+$0x10040] =	vst v12  }
0x102: {  	v49 =	vld [tilespmem:s15+$0x13260];
	v46 =	vadd.f32 v16, v15;
	[tilespmem:s15+$0x13240] =	vst v13  }
0x103: {  	v51 =	vld [tilespmem:s15+$0x16460];
	v50 =	vadd.f32 v43, v15;
	[tilespmem:s15+$0x16440] =	vst v10  }
0x104: {  	v53 =	vld [tilespmem:s15+$0xCE70];
	v52 =	vadd.f32 v44, v15;
	[tilespmem:s15+$0xCE50] =	vst v46  }
0x105: {  	v56 =	vld [tilespmem:s15+$0x10070];
	v55 =	vadd.f32 v47, v45;
	[tilespmem:s15+$0x13250] =	vst v50  }
0x106: {  	v58 =	vld [tilespmem:s15+$0x13270];
	v57 =	vadd.f32 v48, v45;
	[tilespmem:s15+$0x16450] =	vst v52  }
0x107: {  	v42 =	vld [tilespmem:s15+$0x10050];
	v59 =	vadd.f32 v49, v45;
	[tilespmem:s15+$0xCE60] =	vst v55  }
0x108: {  	v60 =	vadd.f32 v51, v45;
	[tilespmem:s15+$0x10060] =	vst v57  }
0x109: {  	s11 =	sadd.s32 $0x1, s11;
	v61 =	vadd.f32 v53, v2;
	[tilespmem:s15+$0x13260] =	vst v59  }
0x10a: {  	p0 =	sne.s32 s11, $0x10;
	v62 =	vadd.f32 v56, v2;
	[tilespmem:s15+$0x16460] =	vst v60  }
.Ltmp2:
0x10b: {  	v63 =	vadd.f32 v58, v2;
	[tilespmem:s15+$0xCE70] =	vst v61;
	(pc) =	sbr.rel @p0 .LBB2_2-.Ltmp2, $4  }
0x10c: {  	s8 =	smul.u32 $0x640, s8;
	v9 =	vadd.f32 v42, v15;
	[tilespmem:s15+$0x10070] =	vst v62  }
0x10d: {  	[tilespmem:s15+$0x13270] =	vst v63  }
0x10e: {  	s8 =	sadd.s32 s2, s8;
	[tilespmem:s15+$0x10050] =	vst v9  }
0x10f: {  	[hbm4b:s8+s3] =	stream.linear.scatter [tilespmem:s1], [sflag:$0x4], $0xC800, $0x38;
	[tilespmem:$0x1C840] =	vst v63  }
0x110: {  	s8 =	simm.s32 $0x3  }
0x111: {  	_ =	swait.ge [sflag:s8], $0xC800  }
0x112: {  	[sflag:s8] =	ssyncset.done $0x0  }
0x113: {  	s11 =	simm.s32 $0x4;
	[sflag:s8] =	ssyncadd.s32 $0xFFFF3800  }
0x114: {  	_ =	swait.ge [sflag:s11], $0xC800  }
0x115: {  	s12 =	rddreg [dreg:$0x6]  }
0x116: {  	s18 =	rddreg [dreg:$0x5];
	s12 =	sadd.s32 $0x1, s12  }
0x117: {  	p0 =	sne.s32 s12, s18  }
.Ltmp3:
0x118: {  	_ = 	snop;
	(pc) =	sbr.rel @p0 .LBB2_1-.Ltmp3, $3  }
0x119: {  	_ =	sdelay $0x1  }
0x11a: {  	[sflag:s11] =	ssyncset.done $0x0  }
0x11b: {  	[sflag:s11] =	ssyncadd.s32 $0xFFFF3800  }
0x11c: {  	_ =	sfence.sel $0x180000  }
0x11d: {  	[bflag:$0x0] =	sbarrier.arrive $0xFFFF  }
0x11e: {  	_ =	strace $0x90000047  }
0x11f: {  	s0 =	stileid.u32;
	[bflag:$0x2] =	sbarrier.arrive $0xFFFF  }
0x120: {  	p0 =	sne.s32 s0, $0x0;
	s0 =	rddreg [dreg:$0x2]  }
0x121: {  	s0 =	sadd.s32 @!p0 $0x100000, s0  }
0x122: {  	[sflag:s0] =	ssyncadd.tile.s32 @!p0 $0x1;
	_ =	shalt  }
.Lfunc_end2:
_tile_overlayer_lowered:
.L_overlay_start_2:
0x123: {  	(tag) =	ssettag $0x2  }
0x124: {  	s0 =	rddreg [dreg:$0x0];
	s2 =	stileid.u32  }
0x125: {  	s1 =	rddreg [dreg:$0x1];
	p0 =	sne.s32 s2, $0x0  }
0x126: {  	s3 =	rddreg [dreg:$0x2];
	[bflag:$0x3] =	sbarrier.arrive $0xFFFF;
	s2 =	simm.s32 @!p0 $0x1C05  }
0x127: {  	[timem:s3], [sflag:s2] =	dma.local @!p0 [hbm:s0], s1  }
0x128: {  	s0 =	simm.s32 @!p0 $0x5  }
0x129: {  	_ =	swait.ge @!p0 [sflag:s0], s1  }
0x12a: {  	s1 =	ssub.s32 @!p0 $0x0, s1;
	[sflag:s0] =	ssyncset.done @!p0 $0x0  }
0x12b: {  	[sflag:s0] =	ssyncadd.s32 @!p0 s1  }
0x12c: {  	[bflag:$0x3] =	sbarrier.arrive $0xFFFF  }
0x12d: {  	_ =	shalt  }

// kernel: sparse-core-data-format-call.cloned.1.call-start
scs
called_computation_lowered:
.L_overlay_start_0:
0x0: {  	s2 =	sld [smem:$0x3FD9]  }
0x1: {  	s3 =	sld [smem:$0x3FFE];
	_ =	sdelay $0x1  }
0x2: {  	s1 =	srdreg.scid  }
0x3: {  	s0 =	sand.u32 $0x1, s1  }
0x4: {  	s18 =	sshll.u32 s0, $0xA;
	s2 =	sadd.s32 s3, s2  }
0x5: {  	s2 =	sadd.s32 s2, s18  }
0x6: {  	[smem:$0x3FC5] =	sst s2  }
0x7: {  	_ = 	snop  }
0x8: {  	s2 =	sld [smem:$0x3FD0];
	(tm) =	ssettm $0x1  }
0x9: {  	s19 =	sld [smem:$0x3FFB];
	_ =	sdelay $0x3  }
0xa: {  	_ =	strace s19  }
0xb: {  	s3 =	sld [smem:$0x3FFC];
	_ =	sdelay $0x3  }
0xc: {  	_ =	strace s3  }
0xd: {  	s3 =	sld [smem:$0x3FFD];
	_ =	sdelay $0x3  }
0xe: {  	_ =	strace s3  }
0xf: {  	_ =	strace $0x8FFFFFFF  }
0x10: {  	s20 =	sld [smem:$0x3FDB];
	_ =	sdelay $0x1  }
0x11: {  	s4 =	simm.s32 $_scs_section_size  }
0x12: {  	s5 =	simm.s32 $_size__tile_overlayer_lowered;
	s6 =	simm.s32 $_tile_overlayer_lowered  }
0x13: {  	s23 =	simm.s32 $0x1BFF;
	s22 =	sshll.u32 s6, $0x1;
	s3 =	sadd.s32 s4, s20  }
0x14: {  	s7 =	simm.s32 $0x0;
	s21 =	sshll.u32 s5, $0x1;
	s5 =	sadd.s32 s22, s3  }
0x15: {  	[timem:s7], [sflag:s23] =	dma.local [hbm:s5], s21  }
0x16: {  	_ =	swait.ge [sflag:s23], s21  }
0x17: {  	s4 =	ssub.s32 $0x0, s21;
	[sflag:s23] =	ssyncset.done $0x0  }
0x18: {  	[sflag:s23] =	ssyncadd.s32 s4;
	_ =	sdelay $0x1  }
0x19: {  	s24 =	simm.s32 $0x1B8B  }
0x1a: {  	_ =	swait.ge [sflag:s24], $0x1  }
0x1b: {  	[sflag:s24] =	ssyncset.done $0x0  }
0x1c: {  	s26 =	simm.s32 $0x1B8E;
	s25 =	sld [smem:$0x3FFE];
	[sflag:s24] =	ssyncadd.s32 $0xFFFFFFFF  }
0x1d: {  	s27 =	simm.s32 $execute0_lowered;
	[smem:$0x3FD2] =	sst s26  }
0x1e: {  	s5 =	sshll.u32 s27, $0x1;
	_ =	strace $0x80000049;
	[dreg:$0x1] =	wrdreg $0xFFFFFFFF  }
0x1f: {  	s28 =	simm.s32 $_size_execute0_lowered;
	s3 =	sadd.s32 s3, s5;
	[dreg:$0x0] =	wrdreg $0x0  }
0x20: {  	s5 =	sshll.u32 s28, $0x1;
	[dreg:$0x2] =	wrdreg s3  }
0x21: {  	[dreg:$0x3] =	wrdreg s5  }
0x22: {  	[dreg:$0x4] =	wrdreg $0xC0  }
0x23: {  	_ =	task [dreg:s7], $0x5FFFF  }
0x24: {  	[dreg:$0x1] =	wrdreg $0xFFFFFFFF  }
0x25: {  	[dreg:$0x0] =	wrdreg $0x60  }
0x26: {  	[dreg:$0x2] =	wrdreg s25  }
0x27: {  	[dreg:$0x3] =	wrdreg s2  }
0x28: {  	[dreg:$0x4] =	wrdreg $0x9  }
0x29: {  	_ =	task.clear_ibuf [dreg:s7], $0x5FFFF;
	_ =	strace $0x90000049  }
0x2a: {  	s29 =	simm.s32 $0x9;
	_ =	strace $0x8000004B  }
0x2b: {  	_ =	swait.ge [sflag:s29], $0x1  }
0x2c: {  	[sflag:s29] =	ssyncadd.s32 $0xFFFFFFFF  }
0x2d: {  	_ =	strace $0x9000004B  }
0x2e: {  	_ =	sfence  }
0x2f: {  	s30 =	sld [smem:$0x0];
	_ =	sdelay $0x2  }
0x30: {  	s31 =	sshll.u32 s1, $0xD;
	s1 =	sshrl.u32 s1, $0x2  }
0x31: {  	s3 =	sand.u32 $0x4000, s31;
	s1 =	sadd.s32 s1, s30  }
0x32: {  	s0 =	sor.u32 s3, s0;
	s1 =	sshll.u32 s1, $0x11  }
0x33: {  	s0 =	sor.u32 s1, s0  }
0x34: {  	s0 =	sadd.s32 $0x8F2B, s0  }
0x35: {  	[sflag:s0] =	ssyncadd.remote.s32 $0x1  }
0x36: {  	_ =	sfence.sel $0xFFFF  }
0x37: {  	[dreg:$0x0] =	wrdreg $0xFFFFFFFF;
	(pc) =	sbr.abs _section_cstart, $3  }
0x38: {  	[dreg:$0x1] =	wrdreg $0xFFFFFFFF  }
0x39: {  	_ =	task.clear_ibuf [dreg:s7], $0x2FFFF;
	_ =	strace $0x9FFFFFFF  }
0x3a: {  	(tm) =	ssettm $0x7FFFFFFF  }
0x3b: {  	_ =	shalt  }
tec
execute0_lowered:
.L_overlay_start_1:
0x0: {  	(tag) =	ssettag $0x1  }
0x1: {  	s0 =	srdreg.scid  }
0x2: {  	s1 =	sshll.u32 s0, $0x4  }
0x3: {  	s0 =	stileid.u32;
	s1 =	sand.u32 $0x10, s1  }
0x4: {  	s1 =	sor.u32 s0, s1  }
0x5: {  	s6 =	rddreg [dreg:$0x0];
	s4 =	simm.s32 $0x1;
	s2 =	sshll.u32 s1, $0x7  }
0x6: {  	s7 =	simm.s32 $0x2;
	s12 =	simm.s32 $0x0;
	s1 =	ssub.s32 $0x1000, s2  }
0x7: {  	s8 =	simm.s32 $0x8000;
	s13 =	simm.s32 $0x0;
	s3 =	sand.u32 $0xF80, s1  }
0x8: {  	s9 =	simm.s32 $0x0;
	s5 =	sshrl.u32 s1, $0xC;
	p0 =	sne.s32 s3, $0x0  }
.Ltmp0:
0x9: {  	s1 =	rddreg [dreg:$0x2];
	s4 =	simm.s32 @!p0 $0x0;
	(pc) =	sbr.rel .LBB1_1-.Ltmp0, $4  }
0xa: {  	s11 =	simm.s32 $0x0;
	s3 =	rddreg [dreg:$0x1];
	s5 =	sadd.s32 s4, s5  }
0xb: {  	_ =	strace $0x8000004A;
	s4 =	simm.s32 $0x1;
	s5 =	smul.u32 $0xC8, s5  }
0xc: {  	s6 =	sadd.s32 $0xE00, s6;
	s10 =	smov.u32 s2;
	[sflag:s4] =	ssyncpa.u1 $0x0  }
0xd: {  	p0 =	por $0x0, $0x0;
	[sflag:s7] =	ssyncpa.u1 $0x0;
	s7 =	sor.u32 $0x1, s5  }
.LBB1_4:
0xe: {  	s16 =	sshll.u32 s13, $0x3;
	s17 =	sand.u32 $0x78, s13  }
0xf: {  	s30 =	sand.u32 $0x7E00, s13;
	s12 =	sshll.u32 s12, $0xF;
	s16 =	sand.u32 $0xC00, s16  }
0x10: {  	[tilespmem:s15+$0x810 ss:$0x81] =	vst.msk $0xffff, v2;
	s31 =	sand.u32 $0x7, s13;
	s16 =	sor.u32 s17, s16;
	s17 =	sadd.s32 s3, s30  }
0x11: {  	[tilespmem:s15+$0x1020 ss:$0x81] =	vst.msk $0xffff, v0;
	s13 =	sshll.u32 s31, $0x12;
	s12 =	sadd.s32 s12, s17;
	s16 =	sshrl.u32 s16, $0x3  }
0x12: {  	[tilespmem:s15+$0x0 ss:$0x81] =	vst.msk $0xffff, v1;
	s13 =	sor.u32 $0x400, s13;
	s12 =	sadd.s32 s16, s12  }
0x13: {  	[hbm4b:s12+s13] =	stream.strided.scatter [tilespmem:s14], [sflag:$0x2], $0x2000, s8, s13, $0x20;
	[tilespmem:$0x8080] =	vst v63  }
.LBB1_5:
0x14: {  	s14 =	sadd.s32 $0x1, s9  }
0x15: {  	s12 =	sadd.s32 $0x1000, s10;
	s16 =	smov.u32 s10;
	p2 =	sgt.s32 s14, $0xC7  }
0x16: {  	s16 =	smov.u32 @p2 s12  }
0x17: {  	s14 =	simm.s32 @p2 $0x0;
	p2 =	sgt.s32 s16, $0xFFF  }
0x18: {  	s16 =	smov.u32 @p2 s2;
	p2 =	sne.s32 s11, s7  }
.Ltmp1:
0x19: {  	p1 =	slt.u32 s11, $0x2;
	(pc) =	sbr.rel @!p2 .LBB1_6-.Ltmp1, $4  }
0x1a: {  	s15 =	simm.s32 @!p1 $0x2  }
0x1b: {  	s13 =	smov.u32 s10;
	p0 =	por !p0, !p0;
	_ =	swait.ge @!p1 [sflag:s15], $0x2000  }
0x1c: {  	s12 =	smov.u32 s9;
	[sflag:s15] =	ssyncset.done @!p1 $0x0;
	s9 =	smov.u32 s14  }
0x1d: {  	s11 =	sadd.s32 $0x1, s11;
	[sflag:s15] =	ssyncadd.s32 @!p1 $0xFFFFE000;
	s10 =	smov.u32 s16  }
.LBB1_1:
0x1e: {  	p1 =	sge.u32 s11, s5  }
0x1f: {  	s14 =	sand.u32 @!p1 $0x1FFFFFF, s9  }
0x20: {  	s15 =	smulhi.u32 @!p1 $0x147AE15, s14;
	_ =	sdelay $0x1  }
0x21: {  	s15 =	smul.u32 @!p1 $0xC8, s15  }
0x22: {  	s16 =	sxor.u32 @!p1 $0xFFFFFFFF, s11;
	s17 =	smul.u32 @!p1 $0xC80, s10  }
0x23: {  	s31 =	sadd.s32 $0xFFFFFFFF, s11;
	s16 =	sshll.u32 @!p1 s16, $0xD;
	s14 =	ssub.s32 @!p1 s14, s15  }
0x24: {  	s15 =	sand.u32 @!p1 $0x2000, s16;
	s16 =	sadd.s32 @!p1 s6, s17;
	s14 =	sshll.u32 @!p1 s14, $0x4  }
0x25: {  	s17 =	simm.s32 @!p1 $0x6400;
	s14 =	sadd.s32 @!p1 s14, s16;
	s16 =	simm.s32 @!p1 $0x40  }
0x26: {  	[tilespmem:s15], [sflag:$0x1] =	stream.strided.gather @!p1 [hbm4b:s14+s16], $0x2000, s17, s16, $0x38;
	[tilespmem:$0x8080] =	vst v63  }
0x27: {  	p1 =	sge.u32 s31, s5  }
.Ltmp2:
0x28: {  	_ = 	snop;
	(pc) =	sbr.rel @p1 .LBB1_5-.Ltmp2, $1  }
0x29: {  	_ =	sdelay $0x3  }
0x2a: {  	s14 =	simm.s32 $0x1  }
0x2b: {  	_ =	swait.ge [sflag:s4], $0x2000;
	s14 =	simm.s32 @!p0 $0x0  }
0x2c: {  	[sflag:s4] =	ssyncset.done $0x0;
	s15 =	sshll.u32 s14, $0xD  }
0x2d: {  	[sflag:s4] =	ssyncadd.s32 $0xFFFFE000;
	s18 =	sor.u32 $0x20, s15  }
0x2e: {  	s14 =	smul.u32 $0x8100, s14;
	v3 =	vld [tilespmem:s18+$0x10]  }
0x2f: {  	s30 =	sand.u32 $0x1, s11;
	v2 =	vld [tilespmem:s18+$0xFFFFFFF0]  }
0x30: {  	s15 =	smul.u32 $0x8100, s30;
	s14 =	sshrl.u32 s14, $0x2;
	v0 =	vld [tilespmem:s18+$0x0]  }
0x31: {  	v1 =	vld [tilespmem:s18+$0xFFFFFFE0];
	s16 =	sor.u32 $0x4000, s14  }
0x32: {  	s31 =	sshrl.u32 s15, $0x2;
	s15 =	sadd.s32 $0x0, s16  }
0x33: {  	s17 =	simm.s32 $0x4;
	s18 =	sadd.s32 $0x40, s18;
	s14 =	sor.u32 $0x4000, s31;
	[tilespmem:s15+$0x1830 ss:$0x81] =	vst.msk $0xffff, v3  }
.LBB1_3:
0x34: {  	v3 =	vld [tilespmem:s18+$0x10];
	p1 =	sne.s32 s17, $0x1FC;
	[tilespmem:s15+$0x810 ss:$0x81] =	vst.msk $0xffff, v2;
	s19 =	smov.u32 s17;
	s17 =	sadd.s32 $0x4, s17  }
.Ltmp3:
0x35: {  	v2 =	vld [tilespmem:s18+$0xFFFFFFF0];
	[tilespmem:s15+$0x1020 ss:$0x81] =	vst.msk $0xffff, v0;
	(pc) =	sbr.rel @p1 .LBB1_3-.Ltmp3, $4  }
0x36: {  	v0 =	vld [tilespmem:s18+$0x0];
	[tilespmem:s15+$0x0 ss:$0x81] =	vst.msk $0xffff, v1  }
0x37: {  	s15 =	sshra.s32 s19, $0x2;
	v1 =	vld [tilespmem:s18+$0xFFFFFFE0]  }
0x38: {  	s15 =	sadd.s32 s15, s16  }
0x39: {  	s18 =	sadd.s32 $0x40, s18;
	[tilespmem:s15+$0x1830 ss:$0x81] =	vst.msk $0xffff, v3  }
.Ltmp4:
0x3a: {  	_ = 	snop;
	(pc) =	sbr.rel .LBB1_4-.Ltmp4, $1  }
0x3b: {  	_ =	sdelay $0x3  }
.LBB1_6:
0x3c: {  	_ =	sfence.sel $0x180000  }
0x3d: {  	s2 =	simm.s32 $0x1;
	[bflag:$0x0] =	sbarrier.arrive $0xFFFF  }
0x3e: {  	s31 =	simm.s32 $0x2;
	[sflag:s2] =	ssyncpa.u1 $0x1  }
0x3f: {  	[sflag:s31] =	ssyncpa.u1 $0x1  }
0x40: {  	p0 =	sne.s32 s0, $0x0;
	_ =	strace $0x9000004A  }
0x41: {  	s0 =	sadd.s32 @!p0 $0x100000, s1;
	[bflag:$0x2] =	sbarrier.arrive $0xFFFF  }
0x42: {  	[sflag:s0] =	ssyncadd.tile.s32 @!p0 $0x1;
	_ =	shalt  }
.Lfunc_end1:
_tile_overlayer_lowered:
.L_overlay_start_2:
0x43: {  	(tag) =	ssettag $0x2  }
0x44: {  	s0 =	rddreg [dreg:$0x0];
	s2 =	stileid.u32  }
0x45: {  	s1 =	rddreg [dreg:$0x1];
	p0 =	sne.s32 s2, $0x0  }
0x46: {  	s3 =	rddreg [dreg:$0x2];
	[bflag:$0x3] =	sbarrier.arrive $0xFFFF;
	s2 =	simm.s32 @!p0 $0x1C01  }
0x47: {  	[timem:s3], [sflag:s2] =	dma.local @!p0 [hbm:s0], s1  }
0x48: {  	s0 =	simm.s32 @!p0 $0x1  }
0x49: {  	_ =	swait.ge @!p0 [sflag:s0], s1  }
0x4a: {  	s1 =	ssub.s32 @!p0 $0x0, s1;
	[sflag:s0] =	ssyncset.done @!p0 $0x0  }
0x4b: {  	[sflag:s0] =	ssyncadd.s32 @!p0 s1  }
0x4c: {  	[bflag:$0x3] =	sbarrier.arrive $0xFFFF  }
0x4d: {  	_ =	shalt  }

</sc_bundles>
